<compile_context>
chip_gen: v7x
topology: tpu7x:2x2x1
jax: 0.10.2.dev20260603
libtpu: 0.0.44.dev20260713+nightly
codegen_flags: <defaults>
</compile_context>

<pallas_src>
import functools
import math

import jax
import jax.numpy as jnp
from jax import lax
from jax.experimental import pallas as pl
from jax.experimental.pallas import tpu as pltpu
from jax.experimental.pallas import tpu_sc as plsc

N = 10000
DEG = 16
D = 256
TPERC = 0.45
REMOVE = math.floor(DEG * TPERC)

NC = 2
NS = 16
LB = 32
NW = NC * NS

CH = 16
ROWS = CH * DEG
NCHUNKS = N // CH
KMAX = -(-NCHUNKS // NW)
GRP = D // LB



def _mm_body(x_ref, wp_ref, o_ref):
    dn = (((1,), (1,)), ((), ()))
    y = lax.dot_general(x_ref[...], wp_ref[...], dn,
                        preferred_element_type=jnp.float32
                        ).astype(jnp.bfloat16)
    yu = lax.bitcast_convert_type(y, jnp.uint16).astype(jnp.uint32)
    pe, po = yu[:, : D // 2], yu[:, D // 2:]
    o_ref[...] = lax.bitcast_convert_type(pe | (po << 16), jnp.float32)


def _project(x, w):
    m = x.shape[0]
    blk = 2000
    grid = m // blk
    wp = jnp.concatenate([w[0::2], w[1::2]])
    return pl.pallas_call(
        _mm_body,
        grid=(grid,),
        in_specs=[
            pl.BlockSpec((blk, D), lambda i: (i, 0)),
            pl.BlockSpec((D, D), lambda i: (0, 0)),
        ],
        out_specs=pl.BlockSpec((blk, D // 2), lambda i: (i, 0)),
        out_shape=jax.ShapeDtypeStruct((m, D // 2), jnp.float32),
    )(x, wp)



_SORT8 = ((0, 1), (2, 3), (4, 5), (6, 7), (0, 2), (1, 3), (4, 6), (5, 7),
          (1, 2), (5, 6), (0, 4), (1, 5), (2, 6), (3, 7), (2, 4), (3, 5),
          (1, 2), (3, 4), (5, 6))


def _median16(vs):
    vs = list(vs)
    for off in (0, 8):
        for (i, j) in _SORT8:
            a, b = vs[off + i], vs[off + j]
            vs[off + i] = jnp.minimum(a, b)
            vs[off + j] = jnp.maximum(a, b)
    lo = [jnp.minimum(vs[i], vs[15 - i]) for i in range(8)]
    hi = [jnp.maximum(vs[i], vs[15 - i]) for i in range(8)]
    while len(lo) > 1:
        lo = [jnp.maximum(lo[k], lo[k + 1]) for k in range(0, len(lo), 2)]
        hi = [jnp.minimum(hi[k], hi[k + 1]) for k in range(0, len(hi), 2)]
    return (lo[0] + hi[0]) * 0.5


_sc_mesh = plsc.VectorSubcoreMesh(core_axis_name="c", subcore_axis_name="s")


@functools.partial(
    pl.kernel,
    mesh=_sc_mesh,
    out_type=jax.ShapeDtypeStruct((N * D,), jnp.float32),
    scratch_types=[
        pltpu.VMEM((ROWS,), jnp.int32),
        pltpu.VMEM((ROWS,), jnp.int32),
        pltpu.VMEM((ROWS, D // 2), jnp.float32),
        pltpu.VMEM((ROWS, D // 2), jnp.float32),
        pltpu.VMEM((CH * D,), jnp.float32),
        pltpu.VMEM((CH * D,), jnp.float32),
        pltpu.SemaphoreType.DMA,
        pltpu.SemaphoreType.DMA,
        pltpu.SemaphoreType.DMA,
        pltpu.SemaphoreType.DMA,
        pltpu.SemaphoreType.DMA,
        pltpu.SemaphoreType.DMA,
    ],
    compiler_params=pltpu.CompilerParams(
        use_tc_tiling_on_sc=False, needs_layout_passes=False
    ),
)
def _sc_median(h_hbm, nbrs_hbm, out_hbm, idx0, idx1, rows0, rows1,
               outv0, outv1, isem0, isem1, gsem0, gsem1, osem0, osem1):
    cid = lax.axis_index("c")
    sid = lax.axis_index("s")
    wid = cid * NS + sid
    idx_b = (idx0, idx1)
    rows_b = (rows0, rows1)
    out_b = (outv0, outv1)
    isem_b = (isem0, isem1)
    gsem_b = (gsem0, gsem1)
    osem_b = (osem0, osem1)
    iota = lax.iota(jnp.int32, 16)

    def _idx_copy(k, b):
        chunk = wid + NW * k
        return pltpu.make_async_copy(
            nbrs_hbm.at[pl.ds(chunk * ROWS, ROWS)], idx_b[b], isem_b[b])

    def _gather_copy(b):
        return pltpu.make_async_copy(h_hbm.at[idx_b[b]], rows_b[b], gsem_b[b])

    def _out_copy(k, b):
        chunk = wid + NW * k
        return pltpu.make_async_copy(
            out_b[b], out_hbm.at[pl.ds(chunk * CH * D, CH * D)], osem_b[b])

    def _live(k):
        return jnp.logical_and(k >= 0, wid + NW * k < NCHUNKS)

    def idx_start(k, b):
        pl.when(_live(k))(lambda: _idx_copy(k, b).start())

    def idx_wait(k, b):
        pl.when(_live(k))(lambda: _idx_copy(k, b).wait())

    def gather_start(k, b):
        pl.when(_live(k))(lambda: _gather_copy(b).start())

    def gather_wait(k, b):
        pl.when(_live(k))(lambda: _gather_copy(b).wait())

    def out_start(k, b):
        pl.when(_live(k))(lambda: _out_copy(k, b).start())

    def out_wait(k, b):
        pl.when(_live(k))(lambda: _out_copy(k, b).wait())

    def compute(k, b):
        rows_v = rows_b[b]
        out_v = out_b[b]

        @pl.when(_live(k))
        def _():
            @plsc.parallel_loop(0, CH * GRP, unroll=2)
            def grp_body(i):
                n = i // GRP
                gg = lax.rem(i, GRP)
                cs = pl.ds(gg * (LB // 2), LB // 2)
                vs = [
                    plsc.bitcast(rows_v[n * DEG + j, cs], jnp.bfloat16)
                    for j in range(DEG)
                ]
                med = _median16(vs)
                ev, od = plsc.unpack(med, format=plsc.PackFormat.INTERLEAVED,
                                     preferred_element_type=jnp.float32)
                ia = (n * D + gg * LB) + 2 * iota
                plsc.store_scatter(out_v, [ia], ev)
                plsc.store_scatter(out_v, [ia + 1], od)

    idx_start(0, 0)
    idx_start(1, 1)
    idx_wait(0, 0)
    gather_start(0, 0)

    def step(k, b):
        gather_wait(k, b)
        idx_start(k + 2, b)
        idx_wait(k + 1, 1 - b)
        gather_start(k + 1, 1 - b)
        out_wait(k - 2, b)
        compute(k, b)
        out_start(k, b)

    def pair_body(k2, carry):
        k = 2 * k2
        step(k, 0)
        step(k + 1, 1)
        return carry

    lax.fori_loop(0, KMAX // 2, pair_body, 0)
    out_wait(KMAX - 2, 0)
    out_wait(KMAX - 1, 1)



def kernel(x, nbrs, W):
    h = _project(x, W)
    return _sc_median(h, nbrs.reshape(-1)).reshape(N, D)

# --- scband reference (transcript-rebuilt; emitter-appended) ---
"""Pipeline reference for scband-trimmed-convolution-72894184948182 (READ-ONLY COPY).

The authoritative reference and input builder live on the scoring server;
editing this copy changes nothing except your own understanding.
"""

import jax, jax.numpy as jnp
import numpy as np
import math

N = 10000
DEG = 16
D_IN = 256
D_OUT = 256
TPERC = 0.45
REMOVE = math.floor(DEG * TPERC)  # 7


def setup_inputs(seed: int = 0) -> dict:
    key = jax.random.key(seed)
    k1, k2, k3 = jax.random.split(key, 3)
    x = jax.random.normal(k1, (N, D_IN), dtype=jnp.float32)
    nbrs = jax.random.randint(k2, (N, DEG), 0, N, dtype=jnp.int32)
    # nn.Linear weight, shape [out_channels, in_channels], no bias (use_bias=False)
    bound = 1.0 / math.sqrt(D_IN)
    W = jax.random.uniform(k3, (D_OUT, D_IN), dtype=jnp.float32, minval=-bound, maxval=bound)
    return {"x": x, "nbrs": nbrs, "W": W}


def reference(x, nbrs, W):
    # h = self.w(x)
    h = x @ W.T  # [N, D_OUT]
    # gather neighbor messages per node: [N, DEG, D_OUT]
    msgs = jnp.take(h, nbrs, axis=0)
    # torch.sort along neighbor dim
    msgs = jnp.sort(msgs, axis=1)
    # trim floor(DEG * tperc) smallest and largest per channel
    if REMOVE > 0:
        msgs = msgs[:, REMOVE:DEG - REMOVE, :]
    out = jnp.mean(msgs, axis=1)  # [N, D_OUT]
    # activation=None -> identity
    return out

if __name__ == "__main__":
    import jax
    _d = setup_inputs()
    print(jax.jit(kernel)(*tuple(_d.values())))

</pallas_src>

<mosaic_0001>
#map = affine_map<(d0, d1) -> (0, 0)>
#map1 = affine_map<(d0, d1) -> (0)>
module attributes {stable_mosaic.version = 14 : i64} {
  func.func @_sc_median(%arg0: i32, %arg1: i32, %arg2: memref<10000x128xf32, #tpu.memory_space<hbm>>, %arg3: memref<160000xi32, #tpu.memory_space<hbm>>, %arg4: memref<2560000xf32, #tpu.memory_space<hbm>>, %arg5: memref<256xi32, #tpu.memory_space<vmem>>, %arg6: memref<256xi32, #tpu.memory_space<vmem>>, %arg7: memref<256x128xf32, #tpu.memory_space<vmem>>, %arg8: memref<256x128xf32, #tpu.memory_space<vmem>>, %arg9: memref<4096xf32, #tpu.memory_space<vmem>>, %arg10: memref<4096xf32, #tpu.memory_space<vmem>>, %arg11: memref<!tpu.dma_semaphore, #tpu.memory_space<semaphore_mem>>, %arg12: memref<!tpu.dma_semaphore, #tpu.memory_space<semaphore_mem>>, %arg13: memref<!tpu.dma_semaphore, #tpu.memory_space<semaphore_mem>>, %arg14: memref<!tpu.dma_semaphore, #tpu.memory_space<semaphore_mem>>, %arg15: memref<!tpu.dma_semaphore, #tpu.memory_space<semaphore_mem>>, %arg16: memref<!tpu.dma_semaphore, #tpu.memory_space<semaphore_mem>>) attributes {dimension_semantics = [#tpu.dimension_semantics<core_parallel>, #tpu.dimension_semantics<subcore_parallel>], iteration_bounds = array<i64: 2, 16>, scalar_prefetch = 0 : i64, scratch_operands = 12 : i64, tpu.core_type = #tpu.core_type<sc_vector_subcore>, window_params = [{transform_indices = #map}, {transform_indices = #map1}, {transform_indices = #map1}]} {
    %mul3A = arith.constant 16 : i32
    %mul3A_0 = arith.muli %arg0, %mul3A : i32
    %add3A = arith.addi %mul3A_0, %arg1 : i32
    %iota3A = tpu.iota {dimensions = array<i32: 0>} : vector<16xi32>
    %add3A_1 = arith.constant 0 : i32
    %add3A_2 = arith.addi %add3A, %add3A_1 : i32
    %lt3A = arith.constant 625 : i32
    %lt3A_3 = arith.cmpi slt, %add3A_2, %lt3A : i32
    %and3A = arith.constant true
    %and3A_4 = arith.andi %and3A, %lt3A_3 : i1
    %convert_element_type3A = arith.extui %and3A_4 : i1 to i32
    %cond3A = arith.constant 0 : i32
    %cond3A_5 = arith.cmpi ne, %convert_element_type3A, %cond3A : i32
    scf.if %cond3A_5 {
      %add3A_56 = arith.constant 0 : i32
      %add3A_57 = arith.addi %add3A, %add3A_56 : i32
      %mul3A_58 = arith.constant 256 : i32
      %mul3A_59 = arith.muli %add3A_57, %mul3A_58 : i32
      %dma_start3A = tpu.memref_slice %arg3[%mul3A_59] : memref<160000xi32, #tpu.memory_space<hbm>> -> memref<256xi32, #tpu.memory_space<hbm>>
      %dma_start3A_60 = tpu.memref_slice %arg3[%mul3A_59] : memref<160000xi32, #tpu.memory_space<hbm>> -> memref<256xi32, #tpu.memory_space<hbm>>
      tpu.enqueue_dma source(%dma_start3A_60 : memref<256xi32, #tpu.memory_space<hbm>>) target(%arg5 : memref<256xi32, #tpu.memory_space<vmem>>) target_semaphore(%arg11 : memref<!tpu.dma_semaphore, #tpu.memory_space<semaphore_mem>>)
    } else {
    }
    %add3A_6 = arith.constant 32 : i32
    %add3A_7 = arith.addi %add3A, %add3A_6 : i32
    %lt3A_8 = arith.constant 625 : i32
    %lt3A_9 = arith.cmpi slt, %add3A_7, %lt3A_8 : i32
    %and3A_10 = arith.constant true
    %and3A_11 = arith.andi %and3A_10, %lt3A_9 : i1
    %convert_element_type3A_12 = arith.extui %and3A_11 : i1 to i32
    %cond3A_13 = arith.constant 0 : i32
    %cond3A_14 = arith.cmpi ne, %convert_element_type3A_12, %cond3A_13 : i32
    scf.if %cond3A_14 {
      %add3A_56 = arith.constant 32 : i32
      %add3A_57 = arith.addi %add3A, %add3A_56 : i32
      %mul3A_58 = arith.constant 256 : i32
      %mul3A_59 = arith.muli %add3A_57, %mul3A_58 : i32
      %dma_start3A = tpu.memref_slice %arg3[%mul3A_59] : memref<160000xi32, #tpu.memory_space<hbm>> -> memref<256xi32, #tpu.memory_space<hbm>>
      %dma_start3A_60 = tpu.memref_slice %arg3[%mul3A_59] : memref<160000xi32, #tpu.memory_space<hbm>> -> memref<256xi32, #tpu.memory_space<hbm>>
      tpu.enqueue_dma source(%dma_start3A_60 : memref<256xi32, #tpu.memory_space<hbm>>) target(%arg6 : memref<256xi32, #tpu.memory_space<vmem>>) target_semaphore(%arg12 : memref<!tpu.dma_semaphore, #tpu.memory_space<semaphore_mem>>)
    } else {
    }
    %add3A_15 = arith.constant 0 : i32
    %add3A_16 = arith.addi %add3A, %add3A_15 : i32
    %lt3A_17 = arith.constant 625 : i32
    %lt3A_18 = arith.cmpi slt, %add3A_16, %lt3A_17 : i32
    %and3A_19 = arith.constant true
    %and3A_20 = arith.andi %and3A_19, %lt3A_18 : i1
    %convert_element_type3A_21 = arith.extui %and3A_20 : i1 to i32
    %cond3A_22 = arith.constant 0 : i32
    %cond3A_23 = arith.cmpi ne, %convert_element_type3A_21, %cond3A_22 : i32
    scf.if %cond3A_23 {
      %add3A_56 = arith.constant 0 : i32
      %add3A_57 = arith.addi %add3A, %add3A_56 : i32
      %mul3A_58 = arith.constant 256 : i32
      %mul3A_59 = arith.muli %add3A_57, %mul3A_58 : i32
      %dma_wait3A = tpu.memref_slice %arg3[%mul3A_59] : memref<160000xi32, #tpu.memory_space<hbm>> -> memref<256xi32, #tpu.memory_space<hbm>>
      %dma_wait3A_60 = tpu.memref_slice %arg3[%mul3A_59] : memref<160000xi32, #tpu.memory_space<hbm>> -> memref<256xi32, #tpu.memory_space<hbm>>
      tpu.wait_dma2 semaphore(%arg11 : memref<!tpu.dma_semaphore, #tpu.memory_space<semaphore_mem>>) src(%dma_wait3A_60 : memref<256xi32, #tpu.memory_space<hbm>>) dst(%arg5 : memref<256xi32, #tpu.memory_space<vmem>>)
    } else {
    }
    %add3A_24 = arith.constant 0 : i32
    %add3A_25 = arith.addi %add3A, %add3A_24 : i32
    %lt3A_26 = arith.constant 625 : i32
    %lt3A_27 = arith.cmpi slt, %add3A_25, %lt3A_26 : i32
    %and3A_28 = arith.constant true
    %and3A_29 = arith.andi %and3A_28, %lt3A_27 : i1
    %convert_element_type3A_30 = arith.extui %and3A_29 : i1 to i32
    %cond3A_31 = arith.constant 0 : i32
    %cond3A_32 = arith.cmpi ne, %convert_element_type3A_30, %cond3A_31 : i32
    scf.if %cond3A_32 {
      %dma_start3A = arith.constant 0 : i32
      %dma_start3A_56 = arith.constant 0 : i32
      %dma_start3A_57 = tpu.memref_slice %arg2[%dma_start3A, %dma_start3A_56] : memref<10000x128xf32, #tpu.memory_space<hbm>> -> memref<10000x128xf32, #tpu.memory_space<hbm>>
      tpu.enqueue_indirect_dma source(%dma_start3A_57 : memref<10000x128xf32, #tpu.memory_space<hbm>>) target(%arg7 : memref<256x128xf32, #tpu.memory_space<vmem>>) offsets(%arg5 : memref<256xi32, #tpu.memory_space<vmem>>) semaphore(%arg13 : memref<!tpu.dma_semaphore, #tpu.memory_space<semaphore_mem>>)
    } else {
    }
    %scan3A = arith.constant 0 : i32
    %scan3A_33 = arith.constant 0 : i32
    %scan3A_34 = arith.constant 10 : i32
    %scan3A_35 = arith.addi %scan3A_33, %scan3A_34 : i32
    %scan3A_36 = arith.constant 1 : i32
    scf.for %scan3A_56 = %scan3A_33 to %scan3A_35 step %scan3A_36  : i32 {
      %mul3A_57 = arith.constant 2 : i32
      %mul3A_58 = arith.muli %mul3A_57, %scan3A_56 : i32
      %ge3A = arith.constant 0 : i32
      %ge3A_59 = arith.cmpi sge, %mul3A_58, %ge3A : i32
      %mul3A_60 = arith.constant 32 : i32
      %mul3A_61 = arith.muli %mul3A_60, %mul3A_58 : i32
      %add3A_62 = arith.addi %add3A, %mul3A_61 : i32
      %lt3A_63 = arith.constant 625 : i32
      %lt3A_64 = arith.cmpi slt, %add3A_62, %lt3A_63 : i32
      %and3A_65 = arith.andi %ge3A_59, %lt3A_64 : i1
      %convert_element_type3A_66 = arith.extui %and3A_65 : i1 to i32
      %cond3A_67 = arith.constant 0 : i32
      %cond3A_68 = arith.cmpi ne, %convert_element_type3A_66, %cond3A_67 : i32
      scf.if %cond3A_68 {
        %dma_wait3A = arith.constant 0 : i32
        %dma_wait3A_229 = arith.constant 0 : i32
        %dma_wait3A_230 = tpu.memref_slice %arg2[%dma_wait3A, %dma_wait3A_229] : memref<10000x128xf32, #tpu.memory_space<hbm>> -> memref<10000x128xf32, #tpu.memory_space<hbm>>
        tpu.wait_indirect_dma semaphore(%arg13 : memref<!tpu.dma_semaphore, #tpu.memory_space<semaphore_mem>>) src(%dma_wait3A_230 : memref<10000x128xf32, #tpu.memory_space<hbm>>) dst(%arg7 : memref<256x128xf32, #tpu.memory_space<vmem>>)
      } else {
      }
      %add3A_69 = arith.constant 2 : i32
      %add3A_70 = arith.addi %mul3A_58, %add3A_69 : i32
      %ge3A_71 = arith.constant 0 : i32
      %ge3A_72 = arith.cmpi sge, %add3A_70, %ge3A_71 : i32
      %mul3A_73 = arith.constant 32 : i32
      %mul3A_74 = arith.muli %mul3A_73, %add3A_70 : i32
      %add3A_75 = arith.addi %add3A, %mul3A_74 : i32
      %lt3A_76 = arith.constant 625 : i32
      %lt3A_77 = arith.cmpi slt, %add3A_75, %lt3A_76 : i32
      %and3A_78 = arith.andi %ge3A_72, %lt3A_77 : i1
      %convert_element_type3A_79 = arith.extui %and3A_78 : i1 to i32
      %cond3A_80 = arith.constant 0 : i32
      %cond3A_81 = arith.cmpi ne, %convert_element_type3A_79, %cond3A_80 : i32
      scf.if %cond3A_81 {
        %mul3A_229 = arith.constant 32 : i32
        %mul3A_230 = arith.muli %mul3A_229, %add3A_70 : i32
        %add3A_231 = arith.addi %add3A, %mul3A_230 : i32
        %mul3A_232 = arith.constant 256 : i32
        %mul3A_233 = arith.muli %add3A_231, %mul3A_232 : i32
        %dma_start3A = tpu.memref_slice %arg3[%mul3A_233] : memref<160000xi32, #tpu.memory_space<hbm>> -> memref<256xi32, #tpu.memory_space<hbm>>
        %dma_start3A_234 = tpu.memref_slice %arg3[%mul3A_233] : memref<160000xi32, #tpu.memory_space<hbm>> -> memref<256xi32, #tpu.memory_space<hbm>>
        tpu.enqueue_dma source(%dma_start3A_234 : memref<256xi32, #tpu.memory_space<hbm>>) target(%arg5 : memref<256xi32, #tpu.memory_space<vmem>>) target_semaphore(%arg11 : memref<!tpu.dma_semaphore, #tpu.memory_space<semaphore_mem>>)
      } else {
      }
      %add3A_82 = arith.constant 1 : i32
      %add3A_83 = arith.addi %mul3A_58, %add3A_82 : i32
      %ge3A_84 = arith.constant 0 : i32
      %ge3A_85 = arith.cmpi sge, %add3A_83, %ge3A_84 : i32
      %mul3A_86 = arith.constant 32 : i32
      %mul3A_87 = arith.muli %mul3A_86, %add3A_83 : i32
      %add3A_88 = arith.addi %add3A, %mul3A_87 : i32
      %lt3A_89 = arith.constant 625 : i32
      %lt3A_90 = arith.cmpi slt, %add3A_88, %lt3A_89 : i32
      %and3A_91 = arith.andi %ge3A_85, %lt3A_90 : i1
      %convert_element_type3A_92 = arith.extui %and3A_91 : i1 to i32
      %cond3A_93 = arith.constant 0 : i32
      %cond3A_94 = arith.cmpi ne, %convert_element_type3A_92, %cond3A_93 : i32
      scf.if %cond3A_94 {
        %mul3A_229 = arith.constant 32 : i32
        %mul3A_230 = arith.muli %mul3A_229, %add3A_83 : i32
        %add3A_231 = arith.addi %add3A, %mul3A_230 : i32
        %mul3A_232 = arith.constant 256 : i32
        %mul3A_233 = arith.muli %add3A_231, %mul3A_232 : i32
        %dma_wait3A = tpu.memref_slice %arg3[%mul3A_233] : memref<160000xi32, #tpu.memory_space<hbm>> -> memref<256xi32, #tpu.memory_space<hbm>>
        %dma_wait3A_234 = tpu.memref_slice %arg3[%mul3A_233] : memref<160000xi32, #tpu.memory_space<hbm>> -> memref<256xi32, #tpu.memory_space<hbm>>
        tpu.wait_dma2 semaphore(%arg12 : memref<!tpu.dma_semaphore, #tpu.memory_space<semaphore_mem>>) src(%dma_wait3A_234 : memref<256xi32, #tpu.memory_space<hbm>>) dst(%arg6 : memref<256xi32, #tpu.memory_space<vmem>>)
      } else {
      }
      %add3A_95 = arith.constant 1 : i32
      %add3A_96 = arith.addi %mul3A_58, %add3A_95 : i32
      %ge3A_97 = arith.constant 0 : i32
      %ge3A_98 = arith.cmpi sge, %add3A_96, %ge3A_97 : i32
      %mul3A_99 = arith.constant 32 : i32
      %mul3A_100 = arith.muli %mul3A_99, %add3A_96 : i32
      %add3A_101 = arith.addi %add3A, %mul3A_100 : i32
      %lt3A_102 = arith.constant 625 : i32
      %lt3A_103 = arith.cmpi slt, %add3A_101, %lt3A_102 : i32
      %and3A_104 = arith.andi %ge3A_98, %lt3A_103 : i1
      %convert_element_type3A_105 = arith.extui %and3A_104 : i1 to i32
      %cond3A_106 = arith.constant 0 : i32
      %cond3A_107 = arith.cmpi ne, %convert_element_type3A_105, %cond3A_106 : i32
      scf.if %cond3A_107 {
        %dma_start3A = arith.constant 0 : i32
        %dma_start3A_229 = arith.constant 0 : i32
        %dma_start3A_230 = tpu.memref_slice %arg2[%dma_start3A, %dma_start3A_229] : memref<10000x128xf32, #tpu.memory_space<hbm>> -> memref<10000x128xf32, #tpu.memory_space<hbm>>
        tpu.enqueue_indirect_dma source(%dma_start3A_230 : memref<10000x128xf32, #tpu.memory_space<hbm>>) target(%arg8 : memref<256x128xf32, #tpu.memory_space<vmem>>) offsets(%arg6 : memref<256xi32, #tpu.memory_space<vmem>>) semaphore(%arg14 : memref<!tpu.dma_semaphore, #tpu.memory_space<semaphore_mem>>)
      } else {
      }
      %sub3A = arith.constant 2 : i32
      %sub3A_108 = arith.subi %mul3A_58, %sub3A : i32
      %ge3A_109 = arith.constant 0 : i32
      %ge3A_110 = arith.cmpi sge, %sub3A_108, %ge3A_109 : i32
      %mul3A_111 = arith.constant 32 : i32
      %mul3A_112 = arith.muli %mul3A_111, %sub3A_108 : i32
      %add3A_113 = arith.addi %add3A, %mul3A_112 : i32
      %lt3A_114 = arith.constant 625 : i32
      %lt3A_115 = arith.cmpi slt, %add3A_113, %lt3A_114 : i32
      %and3A_116 = arith.andi %ge3A_110, %lt3A_115 : i1
      %convert_element_type3A_117 = arith.extui %and3A_116 : i1 to i32
      %cond3A_118 = arith.constant 0 : i32
      %cond3A_119 = arith.cmpi ne, %convert_element_type3A_117, %cond3A_118 : i32
      scf.if %cond3A_119 {
        %mul3A_229 = arith.constant 32 : i32
        %mul3A_230 = arith.muli %mul3A_229, %sub3A_108 : i32
        %add3A_231 = arith.addi %add3A, %mul3A_230 : i32
        %mul3A_232 = arith.constant 16 : i32
        %mul3A_233 = arith.muli %add3A_231, %mul3A_232 : i32
        %mul3A_234 = arith.constant 256 : i32
        %mul3A_235 = arith.muli %mul3A_233, %mul3A_234 : i32
        %dma_wait3A = tpu.memref_slice %arg4[%mul3A_235] : memref<2560000xf32, #tpu.memory_space<hbm>> -> memref<4096xf32, #tpu.memory_space<hbm>>
        %dma_wait3A_236 = tpu.memref_slice %arg4[%mul3A_235] : memref<2560000xf32, #tpu.memory_space<hbm>> -> memref<4096xf32, #tpu.memory_space<hbm>>
        tpu.wait_dma2 semaphore(%arg15 : memref<!tpu.dma_semaphore, #tpu.memory_space<semaphore_mem>>) src(%arg9 : memref<4096xf32, #tpu.memory_space<vmem>>) dst(%dma_wait3A_236 : memref<4096xf32, #tpu.memory_space<hbm>>)
      } else {
      }
      %ge3A_120 = arith.constant 0 : i32
      %ge3A_121 = arith.cmpi sge, %mul3A_58, %ge3A_120 : i32
      %mul3A_122 = arith.constant 32 : i32
      %mul3A_123 = arith.muli %mul3A_122, %mul3A_58 : i32
      %add3A_124 = arith.addi %add3A, %mul3A_123 : i32
      %lt3A_125 = arith.constant 625 : i32
      %lt3A_126 = arith.cmpi slt, %add3A_124, %lt3A_125 : i32
      %and3A_127 = arith.andi %ge3A_121, %lt3A_126 : i1
      %convert_element_type3A_128 = arith.extui %and3A_127 : i1 to i32
      %cond3A_129 = arith.constant 0 : i32
      %cond3A_130 = arith.cmpi ne, %convert_element_type3A_128, %cond3A_129 : i32
      scf.if %cond3A_130 {
        %parallel_loop3A = arith.constant 0 : i32
        %parallel_loop3A_229 = arith.constant 128 : i32
        %parallel_loop3A_230 = arith.constant 1 : i32
        scf.for %parallel_loop3A_231 = %parallel_loop3A to %parallel_loop3A_229 step %parallel_loop3A_230  : i32 {
          %parallel_loop3A_232 = arith.constant 8 : i32
          %parallel_loop3A_233 = arith.divsi %parallel_loop3A_231, %parallel_loop3A_232 : i32
          %parallel_loop3A_234 = arith.constant 0 : i32
          %parallel_loop3A_235 = arith.cmpi sgt, %parallel_loop3A_231, %parallel_loop3A_234 : i32
          %parallel_loop3A_236 = arith.extui %parallel_loop3A_235 : i1 to i32
          %parallel_loop3A_237 = arith.constant 0 : i32
          %parallel_loop3A_238 = arith.cmpi slt, %parallel_loop3A_231, %parallel_loop3A_237 : i32
          %parallel_loop3A_239 = arith.extui %parallel_loop3A_238 : i1 to i32
          %parallel_loop3A_240 = arith.subi %parallel_loop3A_236, %parallel_loop3A_239 : i32
          %parallel_loop3A_241 = arith.constant 0 : i32
          %parallel_loop3A_242 = arith.cmpi sgt, %parallel_loop3A_232, %parallel_loop3A_241 : i32
          %parallel_loop3A_243 = arith.extui %parallel_loop3A_242 : i1 to i32
          %parallel_loop3A_244 = arith.constant 0 : i32
          %parallel_loop3A_245 = arith.cmpi slt, %parallel_loop3A_232, %parallel_loop3A_244 : i32
          %parallel_loop3A_246 = arith.extui %parallel_loop3A_245 : i1 to i32
          %parallel_loop3A_247 = arith.subi %parallel_loop3A_243, %parallel_loop3A_246 : i32
          %parallel_loop3A_248 = arith.cmpi ne, %parallel_loop3A_240, %parallel_loop3A_247 : i32
          %parallel_loop3A_249 = arith.remsi %parallel_loop3A_231, %parallel_loop3A_232 : i32
          %parallel_loop3A_250 = arith.constant 0 : i32
          %parallel_loop3A_251 = arith.cmpi ne, %parallel_loop3A_249, %parallel_loop3A_250 : i32
          %parallel_loop3A_252 = arith.andi %parallel_loop3A_248, %parallel_loop3A_251 : i1
          %parallel_loop3A_253 = arith.constant 1 : i32
          %parallel_loop3A_254 = arith.subi %parallel_loop3A_233, %parallel_loop3A_253 : i32
          %parallel_loop3A_255 = arith.select %parallel_loop3A_252, %parallel_loop3A_254, %parallel_loop3A_233 : i32
          %parallel_loop3A_256 = arith.constant 8 : i32
          %parallel_loop3A_257 = arith.remsi %parallel_loop3A_231, %parallel_loop3A_256 : i32
          %parallel_loop3A_258 = arith.constant 16 : i32
          %parallel_loop3A_259 = arith.muli %parallel_loop3A_257, %parallel_loop3A_258 : i32
          %parallel_loop3A_260 = arith.constant 16 : i32
          %parallel_loop3A_261 = arith.muli %parallel_loop3A_255, %parallel_loop3A_260 : i32
          %parallel_loop3A_262 = arith.constant 0 : i32
          %parallel_loop3A_263 = arith.addi %parallel_loop3A_261, %parallel_loop3A_262 : i32
          %parallel_loop3A_264 = arith.index_cast %parallel_loop3A_263 : i32 to index
          %parallel_loop3A_265 = arith.index_cast %parallel_loop3A_259 : i32 to index
          %parallel_loop3A_266 = tpu.vector_load %arg7[%parallel_loop3A_264, %parallel_loop3A_265] {strides = array<i32>} : memref<256x128xf32, #tpu.memory_space<vmem>>, vector<16xf32>,
          %parallel_loop3A_267 = vector.bitcast %parallel_loop3A_266 : vector<16xf32> to vector<32xbf16>
          %parallel_loop3A_268 = arith.constant 16 : i32
          %parallel_loop3A_269 = arith.muli %parallel_loop3A_255, %parallel_loop3A_268 : i32
          %parallel_loop3A_270 = arith.constant 1 : i32
          %parallel_loop3A_271 = arith.addi %parallel_loop3A_269, %parallel_loop3A_270 : i32
          %parallel_loop3A_272 = arith.index_cast %parallel_loop3A_271 : i32 to index
          %parallel_loop3A_273 = arith.index_cast %parallel_loop3A_259 : i32 to index
          %parallel_loop3A_274 = tpu.vector_load %arg7[%parallel_loop3A_272, %parallel_loop3A_273] {strides = array<i32>} : memref<256x128xf32, #tpu.memory_space<vmem>>, vector<16xf32>,
          %parallel_loop3A_275 = vector.bitcast %parallel_loop3A_274 : vector<16xf32> to vector<32xbf16>
          %parallel_loop3A_276 = arith.constant 16 : i32
          %parallel_loop3A_277 = arith.muli %parallel_loop3A_255, %parallel_loop3A_276 : i32
          %parallel_loop3A_278 = arith.constant 2 : i32
          %parallel_loop3A_279 = arith.addi %parallel_loop3A_277, %parallel_loop3A_278 : i32
          %parallel_loop3A_280 = arith.index_cast %parallel_loop3A_279 : i32 to index
          %parallel_loop3A_281 = arith.index_cast %parallel_loop3A_259 : i32 to index
          %parallel_loop3A_282 = tpu.vector_load %arg7[%parallel_loop3A_280, %parallel_loop3A_281] {strides = array<i32>} : memref<256x128xf32, #tpu.memory_space<vmem>>, vector<16xf32>,
          %parallel_loop3A_283 = vector.bitcast %parallel_loop3A_282 : vector<16xf32> to vector<32xbf16>
          %parallel_loop3A_284 = arith.constant 16 : i32
          %parallel_loop3A_285 = arith.muli %parallel_loop3A_255, %parallel_loop3A_284 : i32
          %parallel_loop3A_286 = arith.constant 3 : i32
          %parallel_loop3A_287 = arith.addi %parallel_loop3A_285, %parallel_loop3A_286 : i32
          %parallel_loop3A_288 = arith.index_cast %parallel_loop3A_287 : i32 to index
          %parallel_loop3A_289 = arith.index_cast %parallel_loop3A_259 : i32 to index
          %parallel_loop3A_290 = tpu.vector_load %arg7[%parallel_loop3A_288, %parallel_loop3A_289] {strides = array<i32>} : memref<256x128xf32, #tpu.memory_space<vmem>>, vector<16xf32>,
          %parallel_loop3A_291 = vector.bitcast %parallel_loop3A_290 : vector<16xf32> to vector<32xbf16>
          %parallel_loop3A_292 = arith.constant 16 : i32
          %parallel_loop3A_293 = arith.muli %parallel_loop3A_255, %parallel_loop3A_292 : i32
          %parallel_loop3A_294 = arith.constant 4 : i32
          %parallel_loop3A_295 = arith.addi %parallel_loop3A_293, %parallel_loop3A_294 : i32
          %parallel_loop3A_296 = arith.index_cast %parallel_loop3A_295 : i32 to index
          %parallel_loop3A_297 = arith.index_cast %parallel_loop3A_259 : i32 to index
          %parallel_loop3A_298 = tpu.vector_load %arg7[%parallel_loop3A_296, %parallel_loop3A_297] {strides = array<i32>} : memref<256x128xf32, #tpu.memory_space<vmem>>, vector<16xf32>,
          %parallel_loop3A_299 = vector.bitcast %parallel_loop3A_298 : vector<16xf32> to vector<32xbf16>
          %parallel_loop3A_300 = arith.constant 16 : i32
          %parallel_loop3A_301 = arith.muli %parallel_loop3A_255, %parallel_loop3A_300 : i32
          %parallel_loop3A_302 = arith.constant 5 : i32
          %parallel_loop3A_303 = arith.addi %parallel_loop3A_301, %parallel_loop3A_302 : i32
          %parallel_loop3A_304 = arith.index_cast %parallel_loop3A_303 : i32 to index
          %parallel_loop3A_305 = arith.index_cast %parallel_loop3A_259 : i32 to index
          %parallel_loop3A_306 = tpu.vector_load %arg7[%parallel_loop3A_304, %parallel_loop3A_305] {strides = array<i32>} : memref<256x128xf32, #tpu.memory_space<vmem>>, vector<16xf32>,
          %parallel_loop3A_307 = vector.bitcast %parallel_loop3A_306 : vector<16xf32> to vector<32xbf16>
          %parallel_loop3A_308 = arith.constant 16 : i32
          %parallel_loop3A_309 = arith.muli %parallel_loop3A_255, %parallel_loop3A_308 : i32
          %parallel_loop3A_310 = arith.constant 6 : i32
          %parallel_loop3A_311 = arith.addi %parallel_loop3A_309, %parallel_loop3A_310 : i32
          %parallel_loop3A_312 = arith.index_cast %parallel_loop3A_311 : i32 to index
          %parallel_loop3A_313 = arith.index_cast %parallel_loop3A_259 : i32 to index
          %parallel_loop3A_314 = tpu.vector_load %arg7[%parallel_loop3A_312, %parallel_loop3A_313] {strides = array<i32>} : memref<256x128xf32, #tpu.memory_space<vmem>>, vector<16xf32>,
          %parallel_loop3A_315 = vector.bitcast %parallel_loop3A_314 : vector<16xf32> to vector<32xbf16>
          %parallel_loop3A_316 = arith.constant 16 : i32
          %parallel_loop3A_317 = arith.muli %parallel_loop3A_255, %parallel_loop3A_316 : i32
          %parallel_loop3A_318 = arith.constant 7 : i32
          %parallel_loop3A_319 = arith.addi %parallel_loop3A_317, %parallel_loop3A_318 : i32
          %parallel_loop3A_320 = arith.index_cast %parallel_loop3A_319 : i32 to index
          %parallel_loop3A_321 = arith.index_cast %parallel_loop3A_259 : i32 to index
          %parallel_loop3A_322 = tpu.vector_load %arg7[%parallel_loop3A_320, %parallel_loop3A_321] {strides = array<i32>} : memref<256x128xf32, #tpu.memory_space<vmem>>, vector<16xf32>,
          %parallel_loop3A_323 = vector.bitcast %parallel_loop3A_322 : vector<16xf32> to vector<32xbf16>
          %parallel_loop3A_324 = arith.constant 16 : i32
          %parallel_loop3A_325 = arith.muli %parallel_loop3A_255, %parallel_loop3A_324 : i32
          %parallel_loop3A_326 = arith.constant 8 : i32
          %parallel_loop3A_327 = arith.addi %parallel_loop3A_325, %parallel_loop3A_326 : i32
          %parallel_loop3A_328 = arith.index_cast %parallel_loop3A_327 : i32 to index
          %parallel_loop3A_329 = arith.index_cast %parallel_loop3A_259 : i32 to index
          %parallel_loop3A_330 = tpu.vector_load %arg7[%parallel_loop3A_328, %parallel_loop3A_329] {strides = array<i32>} : memref<256x128xf32, #tpu.memory_space<vmem>>, vector<16xf32>,
          %parallel_loop3A_331 = vector.bitcast %parallel_loop3A_330 : vector<16xf32> to vector<32xbf16>
          %parallel_loop3A_332 = arith.constant 16 : i32
          %parallel_loop3A_333 = arith.muli %parallel_loop3A_255, %parallel_loop3A_332 : i32
          %parallel_loop3A_334 = arith.constant 9 : i32
          %parallel_loop3A_335 = arith.addi %parallel_loop3A_333, %parallel_loop3A_334 : i32
          %parallel_loop3A_336 = arith.index_cast %parallel_loop3A_335 : i32 to index
          %parallel_loop3A_337 = arith.index_cast %parallel_loop3A_259 : i32 to index
          %parallel_loop3A_338 = tpu.vector_load %arg7[%parallel_loop3A_336, %parallel_loop3A_337] {strides = array<i32>} : memref<256x128xf32, #tpu.memory_space<vmem>>, vector<16xf32>,
          %parallel_loop3A_339 = vector.bitcast %parallel_loop3A_338 : vector<16xf32> to vector<32xbf16>
          %parallel_loop3A_340 = arith.constant 16 : i32
          %parallel_loop3A_341 = arith.muli %parallel_loop3A_255, %parallel_loop3A_340 : i32
          %parallel_loop3A_342 = arith.constant 10 : i32
          %parallel_loop3A_343 = arith.addi %parallel_loop3A_341, %parallel_loop3A_342 : i32
          %parallel_loop3A_344 = arith.index_cast %parallel_loop3A_343 : i32 to index
          %parallel_loop3A_345 = arith.index_cast %parallel_loop3A_259 : i32 to index
          %parallel_loop3A_346 = tpu.vector_load %arg7[%parallel_loop3A_344, %parallel_loop3A_345] {strides = array<i32>} : memref<256x128xf32, #tpu.memory_space<vmem>>, vector<16xf32>,
          %parallel_loop3A_347 = vector.bitcast %parallel_loop3A_346 : vector<16xf32> to vector<32xbf16>
          %parallel_loop3A_348 = arith.constant 16 : i32
          %parallel_loop3A_349 = arith.muli %parallel_loop3A_255, %parallel_loop3A_348 : i32
          %parallel_loop3A_350 = arith.constant 11 : i32
          %parallel_loop3A_351 = arith.addi %parallel_loop3A_349, %parallel_loop3A_350 : i32
          %parallel_loop3A_352 = arith.index_cast %parallel_loop3A_351 : i32 to index
          %parallel_loop3A_353 = arith.index_cast %parallel_loop3A_259 : i32 to index
          %parallel_loop3A_354 = tpu.vector_load %arg7[%parallel_loop3A_352, %parallel_loop3A_353] {strides = array<i32>} : memref<256x128xf32, #tpu.memory_space<vmem>>, vector<16xf32>,
          %parallel_loop3A_355 = vector.bitcast %parallel_loop3A_354 : vector<16xf32> to vector<32xbf16>
          %parallel_loop3A_356 = arith.constant 16 : i32
          %parallel_loop3A_357 = arith.muli %parallel_loop3A_255, %parallel_loop3A_356 : i32
          %parallel_loop3A_358 = arith.constant 12 : i32
          %parallel_loop3A_359 = arith.addi %parallel_loop3A_357, %parallel_loop3A_358 : i32
          %parallel_loop3A_360 = arith.index_cast %parallel_loop3A_359 : i32 to index
          %parallel_loop3A_361 = arith.index_cast %parallel_loop3A_259 : i32 to index
          %parallel_loop3A_362 = tpu.vector_load %arg7[%parallel_loop3A_360, %parallel_loop3A_361] {strides = array<i32>} : memref<256x128xf32, #tpu.memory_space<vmem>>, vector<16xf32>,
          %parallel_loop3A_363 = vector.bitcast %parallel_loop3A_362 : vector<16xf32> to vector<32xbf16>
          %parallel_loop3A_364 = arith.constant 16 : i32
          %parallel_loop3A_365 = arith.muli %parallel_loop3A_255, %parallel_loop3A_364 : i32
          %parallel_loop3A_366 = arith.constant 13 : i32
          %parallel_loop3A_367 = arith.addi %parallel_loop3A_365, %parallel_loop3A_366 : i32
          %parallel_loop3A_368 = arith.index_cast %parallel_loop3A_367 : i32 to index
          %parallel_loop3A_369 = arith.index_cast %parallel_loop3A_259 : i32 to index
          %parallel_loop3A_370 = tpu.vector_load %arg7[%parallel_loop3A_368, %parallel_loop3A_369] {strides = array<i32>} : memref<256x128xf32, #tpu.memory_space<vmem>>, vector<16xf32>,
          %parallel_loop3A_371 = vector.bitcast %parallel_loop3A_370 : vector<16xf32> to vector<32xbf16>
          %parallel_loop3A_372 = arith.constant 16 : i32
          %parallel_loop3A_373 = arith.muli %parallel_loop3A_255, %parallel_loop3A_372 : i32
          %parallel_loop3A_374 = arith.constant 14 : i32
          %parallel_loop3A_375 = arith.addi %parallel_loop3A_373, %parallel_loop3A_374 : i32
          %parallel_loop3A_376 = arith.index_cast %parallel_loop3A_375 : i32 to index
          %parallel_loop3A_377 = arith.index_cast %parallel_loop3A_259 : i32 to index
          %parallel_loop3A_378 = tpu.vector_load %arg7[%parallel_loop3A_376, %parallel_loop3A_377] {strides = array<i32>} : memref<256x128xf32, #tpu.memory_space<vmem>>, vector<16xf32>,
          %parallel_loop3A_379 = vector.bitcast %parallel_loop3A_378 : vector<16xf32> to vector<32xbf16>
          %parallel_loop3A_380 = arith.constant 16 : i32
          %parallel_loop3A_381 = arith.muli %parallel_loop3A_255, %parallel_loop3A_380 : i32
          %parallel_loop3A_382 = arith.constant 15 : i32
          %parallel_loop3A_383 = arith.addi %parallel_loop3A_381, %parallel_loop3A_382 : i32
          %parallel_loop3A_384 = arith.index_cast %parallel_loop3A_383 : i32 to index
          %parallel_loop3A_385 = arith.index_cast %parallel_loop3A_259 : i32 to index
          %parallel_loop3A_386 = tpu.vector_load %arg7[%parallel_loop3A_384, %parallel_loop3A_385] {strides = array<i32>} : memref<256x128xf32, #tpu.memory_space<vmem>>, vector<16xf32>,
          %parallel_loop3A_387 = vector.bitcast %parallel_loop3A_386 : vector<16xf32> to vector<32xbf16>
          %parallel_loop3A_388 = arith.minimumf %parallel_loop3A_267, %parallel_loop3A_275 : vector<32xbf16>
          %parallel_loop3A_389 = arith.maximumf %parallel_loop3A_267, %parallel_loop3A_275 : vector<32xbf16>
          %parallel_loop3A_390 = arith.minimumf %parallel_loop3A_283, %parallel_loop3A_291 : vector<32xbf16>
          %parallel_loop3A_391 = arith.maximumf %parallel_loop3A_283, %parallel_loop3A_291 : vector<32xbf16>
          %parallel_loop3A_392 = arith.minimumf %parallel_loop3A_299, %parallel_loop3A_307 : vector<32xbf16>
          %parallel_loop3A_393 = arith.maximumf %parallel_loop3A_299, %parallel_loop3A_307 : vector<32xbf16>
          %parallel_loop3A_394 = arith.minimumf %parallel_loop3A_315, %parallel_loop3A_323 : vector<32xbf16>
          %parallel_loop3A_395 = arith.maximumf %parallel_loop3A_315, %parallel_loop3A_323 : vector<32xbf16>
          %parallel_loop3A_396 = arith.minimumf %parallel_loop3A_388, %parallel_loop3A_390 : vector<32xbf16>
          %parallel_loop3A_397 = arith.maximumf %parallel_loop3A_388, %parallel_loop3A_390 : vector<32xbf16>
          %parallel_loop3A_398 = arith.minimumf %parallel_loop3A_389, %parallel_loop3A_391 : vector<32xbf16>
          %parallel_loop3A_399 = arith.maximumf %parallel_loop3A_389, %parallel_loop3A_391 : vector<32xbf16>
          %parallel_loop3A_400 = arith.minimumf %parallel_loop3A_392, %parallel_loop3A_394 : vector<32xbf16>
          %parallel_loop3A_401 = arith.maximumf %parallel_loop3A_392, %parallel_loop3A_394 : vector<32xbf16>
          %parallel_loop3A_402 = arith.minimumf %parallel_loop3A_393, %parallel_loop3A_395 : vector<32xbf16>
          %parallel_loop3A_403 = arith.maximumf %parallel_loop3A_393, %parallel_loop3A_395 : vector<32xbf16>
          %parallel_loop3A_404 = arith.minimumf %parallel_loop3A_398, %parallel_loop3A_397 : vector<32xbf16>
          %parallel_loop3A_405 = arith.maximumf %parallel_loop3A_398, %parallel_loop3A_397 : vector<32xbf16>
          %parallel_loop3A_406 = arith.minimumf %parallel_loop3A_402, %parallel_loop3A_401 : vector<32xbf16>
          %parallel_loop3A_407 = arith.maximumf %parallel_loop3A_402, %parallel_loop3A_401 : vector<32xbf16>
          %parallel_loop3A_408 = arith.minimumf %parallel_loop3A_396, %parallel_loop3A_400 : vector<32xbf16>
          %parallel_loop3A_409 = arith.maximumf %parallel_loop3A_396, %parallel_loop3A_400 : vector<32xbf16>
          %parallel_loop3A_410 = arith.minimumf %parallel_loop3A_404, %parallel_loop3A_406 : vector<32xbf16>
          %parallel_loop3A_411 = arith.maximumf %parallel_loop3A_404, %parallel_loop3A_406 : vector<32xbf16>
          %parallel_loop3A_412 = arith.minimumf %parallel_loop3A_405, %parallel_loop3A_407 : vector<32xbf16>
          %parallel_loop3A_413 = arith.maximumf %parallel_loop3A_405, %parallel_loop3A_407 : vector<32xbf16>
          %parallel_loop3A_414 = arith.minimumf %parallel_loop3A_399, %parallel_loop3A_403 : vector<32xbf16>
          %parallel_loop3A_415 = arith.maximumf %parallel_loop3A_399, %parallel_loop3A_403 : vector<32xbf16>
          %parallel_loop3A_416 = arith.minimumf %parallel_loop3A_412, %parallel_loop3A_409 : vector<32xbf16>
          %parallel_loop3A_417 = arith.maximumf %parallel_loop3A_412, %parallel_loop3A_409 : vector<32xbf16>
          %parallel_loop3A_418 = arith.minimumf %parallel_loop3A_414, %parallel_loop3A_411 : vector<32xbf16>
          %parallel_loop3A_419 = arith.maximumf %parallel_loop3A_414, %parallel_loop3A_411 : vector<32xbf16>
          %parallel_loop3A_420 = arith.minimumf %parallel_loop3A_410, %parallel_loop3A_416 : vector<32xbf16>
          %parallel_loop3A_421 = arith.maximumf %parallel_loop3A_410, %parallel_loop3A_416 : vector<32xbf16>
          %parallel_loop3A_422 = arith.minimumf %parallel_loop3A_418, %parallel_loop3A_417 : vector<32xbf16>
          %parallel_loop3A_423 = arith.maximumf %parallel_loop3A_418, %parallel_loop3A_417 : vector<32xbf16>
          %parallel_loop3A_424 = arith.minimumf %parallel_loop3A_419, %parallel_loop3A_413 : vector<32xbf16>
          %parallel_loop3A_425 = arith.maximumf %parallel_loop3A_419, %parallel_loop3A_413 : vector<32xbf16>
          %parallel_loop3A_426 = arith.minimumf %parallel_loop3A_331, %parallel_loop3A_339 : vector<32xbf16>
          %parallel_loop3A_427 = arith.maximumf %parallel_loop3A_331, %parallel_loop3A_339 : vector<32xbf16>
          %parallel_loop3A_428 = arith.minimumf %parallel_loop3A_347, %parallel_loop3A_355 : vector<32xbf16>
          %parallel_loop3A_429 = arith.maximumf %parallel_loop3A_347, %parallel_loop3A_355 : vector<32xbf16>
          %parallel_loop3A_430 = arith.minimumf %parallel_loop3A_363, %parallel_loop3A_371 : vector<32xbf16>
          %parallel_loop3A_431 = arith.maximumf %parallel_loop3A_363, %parallel_loop3A_371 : vector<32xbf16>
          %parallel_loop3A_432 = arith.minimumf %parallel_loop3A_379, %parallel_loop3A_387 : vector<32xbf16>
          %parallel_loop3A_433 = arith.maximumf %parallel_loop3A_379, %parallel_loop3A_387 : vector<32xbf16>
          %parallel_loop3A_434 = arith.minimumf %parallel_loop3A_426, %parallel_loop3A_428 : vector<32xbf16>
          %parallel_loop3A_435 = arith.maximumf %parallel_loop3A_426, %parallel_loop3A_428 : vector<32xbf16>
          %parallel_loop3A_436 = arith.minimumf %parallel_loop3A_427, %parallel_loop3A_429 : vector<32xbf16>
          %parallel_loop3A_437 = arith.maximumf %parallel_loop3A_427, %parallel_loop3A_429 : vector<32xbf16>
          %parallel_loop3A_438 = arith.minimumf %parallel_loop3A_430, %parallel_loop3A_432 : vector<32xbf16>
          %parallel_loop3A_439 = arith.maximumf %parallel_loop3A_430, %parallel_loop3A_432 : vector<32xbf16>
          %parallel_loop3A_440 = arith.minimumf %parallel_loop3A_431, %parallel_loop3A_433 : vector<32xbf16>
          %parallel_loop3A_441 = arith.maximumf %parallel_loop3A_431, %parallel_loop3A_433 : vector<32xbf16>
          %parallel_loop3A_442 = arith.minimumf %parallel_loop3A_436, %parallel_loop3A_435 : vector<32xbf16>
          %parallel_loop3A_443 = arith.maximumf %parallel_loop3A_436, %parallel_loop3A_435 : vector<32xbf16>
          %parallel_loop3A_444 = arith.minimumf %parallel_loop3A_440, %parallel_loop3A_439 : vector<32xbf16>
          %parallel_loop3A_445 = arith.maximumf %parallel_loop3A_440, %parallel_loop3A_439 : vector<32xbf16>
          %parallel_loop3A_446 = arith.minimumf %parallel_loop3A_434, %parallel_loop3A_438 : vector<32xbf16>
          %parallel_loop3A_447 = arith.maximumf %parallel_loop3A_434, %parallel_loop3A_438 : vector<32xbf16>
          %parallel_loop3A_448 = arith.minimumf %parallel_loop3A_442, %parallel_loop3A_444 : vector<32xbf16>
          %parallel_loop3A_449 = arith.maximumf %parallel_loop3A_442, %parallel_loop3A_444 : vector<32xbf16>
          %parallel_loop3A_450 = arith.minimumf %parallel_loop3A_443, %parallel_loop3A_445 : vector<32xbf16>
          %parallel_loop3A_451 = arith.maximumf %parallel_loop3A_443, %parallel_loop3A_445 : vector<32xbf16>
          %parallel_loop3A_452 = arith.minimumf %parallel_loop3A_437, %parallel_loop3A_441 : vector<32xbf16>
          %parallel_loop3A_453 = arith.maximumf %parallel_loop3A_437, %parallel_loop3A_441 : vector<32xbf16>
          %parallel_loop3A_454 = arith.minimumf %parallel_loop3A_450, %parallel_loop3A_447 : vector<32xbf16>
          %parallel_loop3A_455 = arith.maximumf %parallel_loop3A_450, %parallel_loop3A_447 : vector<32xbf16>
          %parallel_loop3A_456 = arith.minimumf %parallel_loop3A_452, %parallel_loop3A_449 : vector<32xbf16>
          %parallel_loop3A_457 = arith.maximumf %parallel_loop3A_452, %parallel_loop3A_449 : vector<32xbf16>
          %parallel_loop3A_458 = arith.minimumf %parallel_loop3A_448, %parallel_loop3A_454 : vector<32xbf16>
          %parallel_loop3A_459 = arith.maximumf %parallel_loop3A_448, %parallel_loop3A_454 : vector<32xbf16>
          %parallel_loop3A_460 = arith.minimumf %parallel_loop3A_456, %parallel_loop3A_455 : vector<32xbf16>
          %parallel_loop3A_461 = arith.maximumf %parallel_loop3A_456, %parallel_loop3A_455 : vector<32xbf16>
          %parallel_loop3A_462 = arith.minimumf %parallel_loop3A_457, %parallel_loop3A_451 : vector<32xbf16>
          %parallel_loop3A_463 = arith.maximumf %parallel_loop3A_457, %parallel_loop3A_451 : vector<32xbf16>
          %parallel_loop3A_464 = arith.minimumf %parallel_loop3A_408, %parallel_loop3A_453 : vector<32xbf16>
          %parallel_loop3A_465 = arith.minimumf %parallel_loop3A_420, %parallel_loop3A_463 : vector<32xbf16>
          %parallel_loop3A_466 = arith.minimumf %parallel_loop3A_421, %parallel_loop3A_462 : vector<32xbf16>
          %parallel_loop3A_467 = arith.minimumf %parallel_loop3A_422, %parallel_loop3A_461 : vector<32xbf16>
          %parallel_loop3A_468 = arith.minimumf %parallel_loop3A_423, %parallel_loop3A_460 : vector<32xbf16>
          %parallel_loop3A_469 = arith.minimumf %parallel_loop3A_424, %parallel_loop3A_459 : vector<32xbf16>
          %parallel_loop3A_470 = arith.minimumf %parallel_loop3A_425, %parallel_loop3A_458 : vector<32xbf16>
          %parallel_loop3A_471 = arith.minimumf %parallel_loop3A_415, %parallel_loop3A_446 : vector<32xbf16>
          %parallel_loop3A_472 = arith.maximumf %parallel_loop3A_408, %parallel_loop3A_453 : vector<32xbf16>
          %parallel_loop3A_473 = arith.maximumf %parallel_loop3A_420, %parallel_loop3A_463 : vector<32xbf16>
          %parallel_loop3A_474 = arith.maximumf %parallel_loop3A_421, %parallel_loop3A_462 : vector<32xbf16>
          %parallel_loop3A_475 = arith.maximumf %parallel_loop3A_422, %parallel_loop3A_461 : vector<32xbf16>
          %parallel_loop3A_476 = arith.maximumf %parallel_loop3A_423, %parallel_loop3A_460 : vector<32xbf16>
          %parallel_loop3A_477 = arith.maximumf %parallel_loop3A_424, %parallel_loop3A_459 : vector<32xbf16>
          %parallel_loop3A_478 = arith.maximumf %parallel_loop3A_425, %parallel_loop3A_458 : vector<32xbf16>
          %parallel_loop3A_479 = arith.maximumf %parallel_loop3A_415, %parallel_loop3A_446 : vector<32xbf16>
          %parallel_loop3A_480 = arith.maximumf %parallel_loop3A_464, %parallel_loop3A_465 : vector<32xbf16>
          %parallel_loop3A_481 = arith.maximumf %parallel_loop3A_466, %parallel_loop3A_467 : vector<32xbf16>
          %parallel_loop3A_482 = arith.maximumf %parallel_loop3A_468, %parallel_loop3A_469 : vector<32xbf16>
          %parallel_loop3A_483 = arith.maximumf %parallel_loop3A_470, %parallel_loop3A_471 : vector<32xbf16>
          %parallel_loop3A_484 = arith.minimumf %parallel_loop3A_472, %parallel_loop3A_473 : vector<32xbf16>
          %parallel_loop3A_485 = arith.minimumf %parallel_loop3A_474, %parallel_loop3A_475 : vector<32xbf16>
          %parallel_loop3A_486 = arith.minimumf %parallel_loop3A_476, %parallel_loop3A_477 : vector<32xbf16>
          %parallel_loop3A_487 = arith.minimumf %parallel_loop3A_478, %parallel_loop3A_479 : vector<32xbf16>
          %parallel_loop3A_488 = arith.maximumf %parallel_loop3A_480, %parallel_loop3A_481 : vector<32xbf16>
          %parallel_loop3A_489 = arith.maximumf %parallel_loop3A_482, %parallel_loop3A_483 : vector<32xbf16>
          %parallel_loop3A_490 = arith.minimumf %parallel_loop3A_484, %parallel_loop3A_485 : vector<32xbf16>
          %parallel_loop3A_491 = arith.minimumf %parallel_loop3A_486, %parallel_loop3A_487 : vector<32xbf16>
          %parallel_loop3A_492 = arith.maximumf %parallel_loop3A_488, %parallel_loop3A_489 : vector<32xbf16>
          %parallel_loop3A_493 = arith.minimumf %parallel_loop3A_490, %parallel_loop3A_491 : vector<32xbf16>
          %parallel_loop3A_494 = arith.addf %parallel_loop3A_492, %parallel_loop3A_493 : vector<32xbf16>
          %parallel_loop3A_495 = arith.constant 5.000000e-01 : bf16
          %parallel_loop3A_496 = vector.broadcast %parallel_loop3A_495 : bf16 to vector<32xbf16>
          %parallel_loop3A_497 = arith.mulf %parallel_loop3A_494, %parallel_loop3A_496 : vector<32xbf16>
          %parallel_loop3A_498 = tpu.unpack_subelements %parallel_loop3A_497, 0 {pack_format = #tpu.pack_format<interleaved>} : vector<32xbf16> -> vector<16xf32>
          %parallel_loop3A_499 = tpu.unpack_subelements %parallel_loop3A_497, 1 {pack_format = #tpu.pack_format<interleaved>} : vector<32xbf16> -> vector<16xf32>
          %parallel_loop3A_500 = arith.constant 256 : i32
          %parallel_loop3A_501 = arith.muli %parallel_loop3A_255, %parallel_loop3A_500 : i32
          %parallel_loop3A_502 = arith.constant 32 : i32
          %parallel_loop3A_503 = arith.muli %parallel_loop3A_257, %parallel_loop3A_502 : i32
          %parallel_loop3A_504 = arith.addi %parallel_loop3A_501, %parallel_loop3A_503 : i32
          %parallel_loop3A_505 = arith.constant 2 : i32
          %parallel_loop3A_506 = vector.broadcast %parallel_loop3A_505 : i32 to vector<16xi32>
          %parallel_loop3A_507 = arith.muli %parallel_loop3A_506, %iota3A : vector<16xi32>
          %parallel_loop3A_508 = vector.broadcast %parallel_loop3A_504 : i32 to vector<16xi32>
          %parallel_loop3A_509 = arith.addi %parallel_loop3A_508, %parallel_loop3A_507 : vector<16xi32>
          tpu.vector_store_idx %arg9[%parallel_loop3A_509], %parallel_loop3A_498 : memref<4096xf32, #tpu.memory_space<vmem>>[vector<16xi32>], vector<16xf32>,
          %parallel_loop3A_510 = arith.constant 1 : i32
          %parallel_loop3A_511 = vector.broadcast %parallel_loop3A_510 : i32 to vector<16xi32>
          %parallel_loop3A_512 = arith.addi %parallel_loop3A_509, %parallel_loop3A_511 : vector<16xi32>
          tpu.vector_store_idx %arg9[%parallel_loop3A_512], %parallel_loop3A_499 : memref<4096xf32, #tpu.memory_space<vmem>>[vector<16xi32>], vector<16xf32>,
        } {sc.loop_unroll_factor = 2 : i64, sc.parallel_access}
      } else {
      }
      %ge3A_131 = arith.constant 0 : i32
      %ge3A_132 = arith.cmpi sge, %mul3A_58, %ge3A_131 : i32
      %mul3A_133 = arith.constant 32 : i32
      %mul3A_134 = arith.muli %mul3A_133, %mul3A_58 : i32
      %add3A_135 = arith.addi %add3A, %mul3A_134 : i32
      %lt3A_136 = arith.constant 625 : i32
      %lt3A_137 = arith.cmpi slt, %add3A_135, %lt3A_136 : i32
      %and3A_138 = arith.andi %ge3A_132, %lt3A_137 : i1
      %convert_element_type3A_139 = arith.extui %and3A_138 : i1 to i32
      %cond3A_140 = arith.constant 0 : i32
      %cond3A_141 = arith.cmpi ne, %convert_element_type3A_139, %cond3A_140 : i32
      scf.if %cond3A_141 {
        %mul3A_229 = arith.constant 32 : i32
        %mul3A_230 = arith.muli %mul3A_229, %mul3A_58 : i32
        %add3A_231 = arith.addi %add3A, %mul3A_230 : i32
        %mul3A_232 = arith.constant 16 : i32
        %mul3A_233 = arith.muli %add3A_231, %mul3A_232 : i32
        %mul3A_234 = arith.constant 256 : i32
        %mul3A_235 = arith.muli %mul3A_233, %mul3A_234 : i32
        %dma_start3A = tpu.memref_slice %arg4[%mul3A_235] : memref<2560000xf32, #tpu.memory_space<hbm>> -> memref<4096xf32, #tpu.memory_space<hbm>>
        %dma_start3A_236 = tpu.memref_slice %arg4[%mul3A_235] : memref<2560000xf32, #tpu.memory_space<hbm>> -> memref<4096xf32, #tpu.memory_space<hbm>>
        tpu.enqueue_dma source(%arg9 : memref<4096xf32, #tpu.memory_space<vmem>>) target(%dma_start3A_236 : memref<4096xf32, #tpu.memory_space<hbm>>) target_semaphore(%arg15 : memref<!tpu.dma_semaphore, #tpu.memory_space<semaphore_mem>>)
      } else {
      }
      %add3A_142 = arith.constant 1 : i32
      %add3A_143 = arith.addi %mul3A_58, %add3A_142 : i32
      %ge3A_144 = arith.constant 0 : i32
      %ge3A_145 = arith.cmpi sge, %add3A_143, %ge3A_144 : i32
      %mul3A_146 = arith.constant 32 : i32
      %mul3A_147 = arith.muli %mul3A_146, %add3A_143 : i32
      %add3A_148 = arith.addi %add3A, %mul3A_147 : i32
      %lt3A_149 = arith.constant 625 : i32
      %lt3A_150 = arith.cmpi slt, %add3A_148, %lt3A_149 : i32
      %and3A_151 = arith.andi %ge3A_145, %lt3A_150 : i1
      %convert_element_type3A_152 = arith.extui %and3A_151 : i1 to i32
      %cond3A_153 = arith.constant 0 : i32
      %cond3A_154 = arith.cmpi ne, %convert_element_type3A_152, %cond3A_153 : i32
      scf.if %cond3A_154 {
        %dma_wait3A = arith.constant 0 : i32
        %dma_wait3A_229 = arith.constant 0 : i32
        %dma_wait3A_230 = tpu.memref_slice %arg2[%dma_wait3A, %dma_wait3A_229] : memref<10000x128xf32, #tpu.memory_space<hbm>> -> memref<10000x128xf32, #tpu.memory_space<hbm>>
        tpu.wait_indirect_dma semaphore(%arg14 : memref<!tpu.dma_semaphore, #tpu.memory_space<semaphore_mem>>) src(%dma_wait3A_230 : memref<10000x128xf32, #tpu.memory_space<hbm>>) dst(%arg8 : memref<256x128xf32, #tpu.memory_space<vmem>>)
      } else {
      }
      %add3A_155 = arith.constant 2 : i32
      %add3A_156 = arith.addi %add3A_143, %add3A_155 : i32
      %ge3A_157 = arith.constant 0 : i32
      %ge3A_158 = arith.cmpi sge, %add3A_156, %ge3A_157 : i32
      %mul3A_159 = arith.constant 32 : i32
      %mul3A_160 = arith.muli %mul3A_159, %add3A_156 : i32
      %add3A_161 = arith.addi %add3A, %mul3A_160 : i32
      %lt3A_162 = arith.constant 625 : i32
      %lt3A_163 = arith.cmpi slt, %add3A_161, %lt3A_162 : i32
      %and3A_164 = arith.andi %ge3A_158, %lt3A_163 : i1
      %convert_element_type3A_165 = arith.extui %and3A_164 : i1 to i32
      %cond3A_166 = arith.constant 0 : i32
      %cond3A_167 = arith.cmpi ne, %convert_element_type3A_165, %cond3A_166 : i32
      scf.if %cond3A_167 {
        %mul3A_229 = arith.constant 32 : i32
        %mul3A_230 = arith.muli %mul3A_229, %add3A_156 : i32
        %add3A_231 = arith.addi %add3A, %mul3A_230 : i32
        %mul3A_232 = arith.constant 256 : i32
        %mul3A_233 = arith.muli %add3A_231, %mul3A_232 : i32
        %dma_start3A = tpu.memref_slice %arg3[%mul3A_233] : memref<160000xi32, #tpu.memory_space<hbm>> -> memref<256xi32, #tpu.memory_space<hbm>>
        %dma_start3A_234 = tpu.memref_slice %arg3[%mul3A_233] : memref<160000xi32, #tpu.memory_space<hbm>> -> memref<256xi32, #tpu.memory_space<hbm>>
        tpu.enqueue_dma source(%dma_start3A_234 : memref<256xi32, #tpu.memory_space<hbm>>) target(%arg6 : memref<256xi32, #tpu.memory_space<vmem>>) target_semaphore(%arg12 : memref<!tpu.dma_semaphore, #tpu.memory_space<semaphore_mem>>)
      } else {
      }
      %add3A_168 = arith.constant 1 : i32
      %add3A_169 = arith.addi %add3A_143, %add3A_168 : i32
      %ge3A_170 = arith.constant 0 : i32
      %ge3A_171 = arith.cmpi sge, %add3A_169, %ge3A_170 : i32
      %mul3A_172 = arith.constant 32 : i32
      %mul3A_173 = arith.muli %mul3A_172, %add3A_169 : i32
      %add3A_174 = arith.addi %add3A, %mul3A_173 : i32
      %lt3A_175 = arith.constant 625 : i32
      %lt3A_176 = arith.cmpi slt, %add3A_174, %lt3A_175 : i32
      %and3A_177 = arith.andi %ge3A_171, %lt3A_176 : i1
      %convert_element_type3A_178 = arith.extui %and3A_177 : i1 to i32
      %cond3A_179 = arith.constant 0 : i32
      %cond3A_180 = arith.cmpi ne, %convert_element_type3A_178, %cond3A_179 : i32
      scf.if %cond3A_180 {
        %mul3A_229 = arith.constant 32 : i32
        %mul3A_230 = arith.muli %mul3A_229, %add3A_169 : i32
        %add3A_231 = arith.addi %add3A, %mul3A_230 : i32
        %mul3A_232 = arith.constant 256 : i32
        %mul3A_233 = arith.muli %add3A_231, %mul3A_232 : i32
        %dma_wait3A = tpu.memref_slice %arg3[%mul3A_233] : memref<160000xi32, #tpu.memory_space<hbm>> -> memref<256xi32, #tpu.memory_space<hbm>>
        %dma_wait3A_234 = tpu.memref_slice %arg3[%mul3A_233] : memref<160000xi32, #tpu.memory_space<hbm>> -> memref<256xi32, #tpu.memory_space<hbm>>
        tpu.wait_dma2 semaphore(%arg11 : memref<!tpu.dma_semaphore, #tpu.memory_space<semaphore_mem>>) src(%dma_wait3A_234 : memref<256xi32, #tpu.memory_space<hbm>>) dst(%arg5 : memref<256xi32, #tpu.memory_space<vmem>>)
      } else {
      }
      %add3A_181 = arith.constant 1 : i32
      %add3A_182 = arith.addi %add3A_143, %add3A_181 : i32
      %ge3A_183 = arith.constant 0 : i32
      %ge3A_184 = arith.cmpi sge, %add3A_182, %ge3A_183 : i32
      %mul3A_185 = arith.constant 32 : i32
      %mul3A_186 = arith.muli %mul3A_185, %add3A_182 : i32
      %add3A_187 = arith.addi %add3A, %mul3A_186 : i32
      %lt3A_188 = arith.constant 625 : i32
      %lt3A_189 = arith.cmpi slt, %add3A_187, %lt3A_188 : i32
      %and3A_190 = arith.andi %ge3A_184, %lt3A_189 : i1
      %convert_element_type3A_191 = arith.extui %and3A_190 : i1 to i32
      %cond3A_192 = arith.constant 0 : i32
      %cond3A_193 = arith.cmpi ne, %convert_element_type3A_191, %cond3A_192 : i32
      scf.if %cond3A_193 {
        %dma_start3A = arith.constant 0 : i32
        %dma_start3A_229 = arith.constant 0 : i32
        %dma_start3A_230 = tpu.memref_slice %arg2[%dma_start3A, %dma_start3A_229] : memref<10000x128xf32, #tpu.memory_space<hbm>> -> memref<10000x128xf32, #tpu.memory_space<hbm>>
        tpu.enqueue_indirect_dma source(%dma_start3A_230 : memref<10000x128xf32, #tpu.memory_space<hbm>>) target(%arg7 : memref<256x128xf32, #tpu.memory_space<vmem>>) offsets(%arg5 : memref<256xi32, #tpu.memory_space<vmem>>) semaphore(%arg13 : memref<!tpu.dma_semaphore, #tpu.memory_space<semaphore_mem>>)
      } else {
      }
      %sub3A_194 = arith.constant 2 : i32
      %sub3A_195 = arith.subi %add3A_143, %sub3A_194 : i32
      %ge3A_196 = arith.constant 0 : i32
      %ge3A_197 = arith.cmpi sge, %sub3A_195, %ge3A_196 : i32
      %mul3A_198 = arith.constant 32 : i32
      %mul3A_199 = arith.muli %mul3A_198, %sub3A_195 : i32
      %add3A_200 = arith.addi %add3A, %mul3A_199 : i32
      %lt3A_201 = arith.constant 625 : i32
      %lt3A_202 = arith.cmpi slt, %add3A_200, %lt3A_201 : i32
      %and3A_203 = arith.andi %ge3A_197, %lt3A_202 : i1
      %convert_element_type3A_204 = arith.extui %and3A_203 : i1 to i32
      %cond3A_205 = arith.constant 0 : i32
      %cond3A_206 = arith.cmpi ne, %convert_element_type3A_204, %cond3A_205 : i32
      scf.if %cond3A_206 {
        %mul3A_229 = arith.constant 32 : i32
        %mul3A_230 = arith.muli %mul3A_229, %sub3A_195 : i32
        %add3A_231 = arith.addi %add3A, %mul3A_230 : i32
        %mul3A_232 = arith.constant 16 : i32
        %mul3A_233 = arith.muli %add3A_231, %mul3A_232 : i32
        %mul3A_234 = arith.constant 256 : i32
        %mul3A_235 = arith.muli %mul3A_233, %mul3A_234 : i32
        %dma_wait3A = tpu.memref_slice %arg4[%mul3A_235] : memref<2560000xf32, #tpu.memory_space<hbm>> -> memref<4096xf32, #tpu.memory_space<hbm>>
        %dma_wait3A_236 = tpu.memref_slice %arg4[%mul3A_235] : memref<2560000xf32, #tpu.memory_space<hbm>> -> memref<4096xf32, #tpu.memory_space<hbm>>
        tpu.wait_dma2 semaphore(%arg16 : memref<!tpu.dma_semaphore, #tpu.memory_space<semaphore_mem>>) src(%arg10 : memref<4096xf32, #tpu.memory_space<vmem>>) dst(%dma_wait3A_236 : memref<4096xf32, #tpu.memory_space<hbm>>)
      } else {
      }
      %ge3A_207 = arith.constant 0 : i32
      %ge3A_208 = arith.cmpi sge, %add3A_143, %ge3A_207 : i32
      %mul3A_209 = arith.constant 32 : i32
      %mul3A_210 = arith.muli %mul3A_209, %add3A_143 : i32
      %add3A_211 = arith.addi %add3A, %mul3A_210 : i32
      %lt3A_212 = arith.constant 625 : i32
      %lt3A_213 = arith.cmpi slt, %add3A_211, %lt3A_212 : i32
      %and3A_214 = arith.andi %ge3A_208, %lt3A_213 : i1
      %convert_element_type3A_215 = arith.extui %and3A_214 : i1 to i32
      %cond3A_216 = arith.constant 0 : i32
      %cond3A_217 = arith.cmpi ne, %convert_element_type3A_215, %cond3A_216 : i32
      scf.if %cond3A_217 {
        %parallel_loop3A = arith.constant 0 : i32
        %parallel_loop3A_229 = arith.constant 128 : i32
        %parallel_loop3A_230 = arith.constant 1 : i32
        scf.for %parallel_loop3A_231 = %parallel_loop3A to %parallel_loop3A_229 step %parallel_loop3A_230  : i32 {
          %parallel_loop3A_232 = arith.constant 8 : i32
          %parallel_loop3A_233 = arith.divsi %parallel_loop3A_231, %parallel_loop3A_232 : i32
          %parallel_loop3A_234 = arith.constant 0 : i32
          %parallel_loop3A_235 = arith.cmpi sgt, %parallel_loop3A_231, %parallel_loop3A_234 : i32
          %parallel_loop3A_236 = arith.extui %parallel_loop3A_235 : i1 to i32
          %parallel_loop3A_237 = arith.constant 0 : i32
          %parallel_loop3A_238 = arith.cmpi slt, %parallel_loop3A_231, %parallel_loop3A_237 : i32
          %parallel_loop3A_239 = arith.extui %parallel_loop3A_238 : i1 to i32
          %parallel_loop3A_240 = arith.subi %parallel_loop3A_236, %parallel_loop3A_239 : i32
          %parallel_loop3A_241 = arith.constant 0 : i32
          %parallel_loop3A_242 = arith.cmpi sgt, %parallel_loop3A_232, %parallel_loop3A_241 : i32
          %parallel_loop3A_243 = arith.extui %parallel_loop3A_242 : i1 to i32
          %parallel_loop3A_244 = arith.constant 0 : i32
          %parallel_loop3A_245 = arith.cmpi slt, %parallel_loop3A_232, %parallel_loop3A_244 : i32
          %parallel_loop3A_246 = arith.extui %parallel_loop3A_245 : i1 to i32
          %parallel_loop3A_247 = arith.subi %parallel_loop3A_243, %parallel_loop3A_246 : i32
          %parallel_loop3A_248 = arith.cmpi ne, %parallel_loop3A_240, %parallel_loop3A_247 : i32
          %parallel_loop3A_249 = arith.remsi %parallel_loop3A_231, %parallel_loop3A_232 : i32
          %parallel_loop3A_250 = arith.constant 0 : i32
          %parallel_loop3A_251 = arith.cmpi ne, %parallel_loop3A_249, %parallel_loop3A_250 : i32
          %parallel_loop3A_252 = arith.andi %parallel_loop3A_248, %parallel_loop3A_251 : i1
          %parallel_loop3A_253 = arith.constant 1 : i32
          %parallel_loop3A_254 = arith.subi %parallel_loop3A_233, %parallel_loop3A_253 : i32
          %parallel_loop3A_255 = arith.select %parallel_loop3A_252, %parallel_loop3A_254, %parallel_loop3A_233 : i32
          %parallel_loop3A_256 = arith.constant 8 : i32
          %parallel_loop3A_257 = arith.remsi %parallel_loop3A_231, %parallel_loop3A_256 : i32
          %parallel_loop3A_258 = arith.constant 16 : i32
          %parallel_loop3A_259 = arith.muli %parallel_loop3A_257, %parallel_loop3A_258 : i32
          %parallel_loop3A_260 = arith.constant 16 : i32
          %parallel_loop3A_261 = arith.muli %parallel_loop3A_255, %parallel_loop3A_260 : i32
          %parallel_loop3A_262 = arith.constant 0 : i32
          %parallel_loop3A_263 = arith.addi %parallel_loop3A_261, %parallel_loop3A_262 : i32
          %parallel_loop3A_264 = arith.index_cast %parallel_loop3A_263 : i32 to index
          %parallel_loop3A_265 = arith.index_cast %parallel_loop3A_259 : i32 to index
          %parallel_loop3A_266 = tpu.vector_load %arg8[%parallel_loop3A_264, %parallel_loop3A_265] {strides = array<i32>} : memref<256x128xf32, #tpu.memory_space<vmem>>, vector<16xf32>,
          %parallel_loop3A_267 = vector.bitcast %parallel_loop3A_266 : vector<16xf32> to vector<32xbf16>
          %parallel_loop3A_268 = arith.constant 16 : i32
          %parallel_loop3A_269 = arith.muli %parallel_loop3A_255, %parallel_loop3A_268 : i32
          %parallel_loop3A_270 = arith.constant 1 : i32
          %parallel_loop3A_271 = arith.addi %parallel_loop3A_269, %parallel_loop3A_270 : i32
          %parallel_loop3A_272 = arith.index_cast %parallel_loop3A_271 : i32 to index
          %parallel_loop3A_273 = arith.index_cast %parallel_loop3A_259 : i32 to index
          %parallel_loop3A_274 = tpu.vector_load %arg8[%parallel_loop3A_272, %parallel_loop3A_273] {strides = array<i32>} : memref<256x128xf32, #tpu.memory_space<vmem>>, vector<16xf32>,
          %parallel_loop3A_275 = vector.bitcast %parallel_loop3A_274 : vector<16xf32> to vector<32xbf16>
          %parallel_loop3A_276 = arith.constant 16 : i32
          %parallel_loop3A_277 = arith.muli %parallel_loop3A_255, %parallel_loop3A_276 : i32
          %parallel_loop3A_278 = arith.constant 2 : i32
          %parallel_loop3A_279 = arith.addi %parallel_loop3A_277, %parallel_loop3A_278 : i32
          %parallel_loop3A_280 = arith.index_cast %parallel_loop3A_279 : i32 to index
          %parallel_loop3A_281 = arith.index_cast %parallel_loop3A_259 : i32 to index
          %parallel_loop3A_282 = tpu.vector_load %arg8[%parallel_loop3A_280, %parallel_loop3A_281] {strides = array<i32>} : memref<256x128xf32, #tpu.memory_space<vmem>>, vector<16xf32>,
          %parallel_loop3A_283 = vector.bitcast %parallel_loop3A_282 : vector<16xf32> to vector<32xbf16>
          %parallel_loop3A_284 = arith.constant 16 : i32
          %parallel_loop3A_285 = arith.muli %parallel_loop3A_255, %parallel_loop3A_284 : i32
          %parallel_loop3A_286 = arith.constant 3 : i32
          %parallel_loop3A_287 = arith.addi %parallel_loop3A_285, %parallel_loop3A_286 : i32
          %parallel_loop3A_288 = arith.index_cast %parallel_loop3A_287 : i32 to index
          %parallel_loop3A_289 = arith.index_cast %parallel_loop3A_259 : i32 to index
          %parallel_loop3A_290 = tpu.vector_load %arg8[%parallel_loop3A_288, %parallel_loop3A_289] {strides = array<i32>} : memref<256x128xf32, #tpu.memory_space<vmem>>, vector<16xf32>,
          %parallel_loop3A_291 = vector.bitcast %parallel_loop3A_290 : vector<16xf32> to vector<32xbf16>
          %parallel_loop3A_292 = arith.constant 16 : i32
          %parallel_loop3A_293 = arith.muli %parallel_loop3A_255, %parallel_loop3A_292 : i32
          %parallel_loop3A_294 = arith.constant 4 : i32
          %parallel_loop3A_295 = arith.addi %parallel_loop3A_293, %parallel_loop3A_294 : i32
          %parallel_loop3A_296 = arith.index_cast %parallel_loop3A_295 : i32 to index
          %parallel_loop3A_297 = arith.index_cast %parallel_loop3A_259 : i32 to index
          %parallel_loop3A_298 = tpu.vector_load %arg8[%parallel_loop3A_296, %parallel_loop3A_297] {strides = array<i32>} : memref<256x128xf32, #tpu.memory_space<vmem>>, vector<16xf32>,
          %parallel_loop3A_299 = vector.bitcast %parallel_loop3A_298 : vector<16xf32> to vector<32xbf16>
          %parallel_loop3A_300 = arith.constant 16 : i32
          %parallel_loop3A_301 = arith.muli %parallel_loop3A_255, %parallel_loop3A_300 : i32
          %parallel_loop3A_302 = arith.constant 5 : i32
          %parallel_loop3A_303 = arith.addi %parallel_loop3A_301, %parallel_loop3A_302 : i32
          %parallel_loop3A_304 = arith.index_cast %parallel_loop3A_303 : i32 to index
          %parallel_loop3A_305 = arith.index_cast %parallel_loop3A_259 : i32 to index
          %parallel_loop3A_306 = tpu.vector_load %arg8[%parallel_loop3A_304, %parallel_loop3A_305] {strides = array<i32>} : memref<256x128xf32, #tpu.memory_space<vmem>>, vector<16xf32>,
          %parallel_loop3A_307 = vector.bitcast %parallel_loop3A_306 : vector<16xf32> to vector<32xbf16>
          %parallel_loop3A_308 = arith.constant 16 : i32
          %parallel_loop3A_309 = arith.muli %parallel_loop3A_255, %parallel_loop3A_308 : i32
          %parallel_loop3A_310 = arith.constant 6 : i32
          %parallel_loop3A_311 = arith.addi %parallel_loop3A_309, %parallel_loop3A_310 : i32
          %parallel_loop3A_312 = arith.index_cast %parallel_loop3A_311 : i32 to index
          %parallel_loop3A_313 = arith.index_cast %parallel_loop3A_259 : i32 to index
          %parallel_loop3A_314 = tpu.vector_load %arg8[%parallel_loop3A_312, %parallel_loop3A_313] {strides = array<i32>} : memref<256x128xf32, #tpu.memory_space<vmem>>, vector<16xf32>,
          %parallel_loop3A_315 = vector.bitcast %parallel_loop3A_314 : vector<16xf32> to vector<32xbf16>
          %parallel_loop3A_316 = arith.constant 16 : i32
          %parallel_loop3A_317 = arith.muli %parallel_loop3A_255, %parallel_loop3A_316 : i32
          %parallel_loop3A_318 = arith.constant 7 : i32
          %parallel_loop3A_319 = arith.addi %parallel_loop3A_317, %parallel_loop3A_318 : i32
          %parallel_loop3A_320 = arith.index_cast %parallel_loop3A_319 : i32 to index
          %parallel_loop3A_321 = arith.index_cast %parallel_loop3A_259 : i32 to index
          %parallel_loop3A_322 = tpu.vector_load %arg8[%parallel_loop3A_320, %parallel_loop3A_321] {strides = array<i32>} : memref<256x128xf32, #tpu.memory_space<vmem>>, vector<16xf32>,
          %parallel_loop3A_323 = vector.bitcast %parallel_loop3A_322 : vector<16xf32> to vector<32xbf16>
          %parallel_loop3A_324 = arith.constant 16 : i32
          %parallel_loop3A_325 = arith.muli %parallel_loop3A_255, %parallel_loop3A_324 : i32
          %parallel_loop3A_326 = arith.constant 8 : i32
          %parallel_loop3A_327 = arith.addi %parallel_loop3A_325, %parallel_loop3A_326 : i32
          %parallel_loop3A_328 = arith.index_cast %parallel_loop3A_327 : i32 to index
          %parallel_loop3A_329 = arith.index_cast %parallel_loop3A_259 : i32 to index
          %parallel_loop3A_330 = tpu.vector_load %arg8[%parallel_loop3A_328, %parallel_loop3A_329] {strides = array<i32>} : memref<256x128xf32, #tpu.memory_space<vmem>>, vector<16xf32>,
          %parallel_loop3A_331 = vector.bitcast %parallel_loop3A_330 : vector<16xf32> to vector<32xbf16>
          %parallel_loop3A_332 = arith.constant 16 : i32
          %parallel_loop3A_333 = arith.muli %parallel_loop3A_255, %parallel_loop3A_332 : i32
          %parallel_loop3A_334 = arith.constant 9 : i32
          %parallel_loop3A_335 = arith.addi %parallel_loop3A_333, %parallel_loop3A_334 : i32
          %parallel_loop3A_336 = arith.index_cast %parallel_loop3A_335 : i32 to index
          %parallel_loop3A_337 = arith.index_cast %parallel_loop3A_259 : i32 to index
          %parallel_loop3A_338 = tpu.vector_load %arg8[%parallel_loop3A_336, %parallel_loop3A_337] {strides = array<i32>} : memref<256x128xf32, #tpu.memory_space<vmem>>, vector<16xf32>,
          %parallel_loop3A_339 = vector.bitcast %parallel_loop3A_338 : vector<16xf32> to vector<32xbf16>
          %parallel_loop3A_340 = arith.constant 16 : i32
          %parallel_loop3A_341 = arith.muli %parallel_loop3A_255, %parallel_loop3A_340 : i32
          %parallel_loop3A_342 = arith.constant 10 : i32
          %parallel_loop3A_343 = arith.addi %parallel_loop3A_341, %parallel_loop3A_342 : i32
          %parallel_loop3A_344 = arith.index_cast %parallel_loop3A_343 : i32 to index
          %parallel_loop3A_345 = arith.index_cast %parallel_loop3A_259 : i32 to index
          %parallel_loop3A_346 = tpu.vector_load %arg8[%parallel_loop3A_344, %parallel_loop3A_345] {strides = array<i32>} : memref<256x128xf32, #tpu.memory_space<vmem>>, vector<16xf32>,
          %parallel_loop3A_347 = vector.bitcast %parallel_loop3A_346 : vector<16xf32> to vector<32xbf16>
          %parallel_loop3A_348 = arith.constant 16 : i32
          %parallel_loop3A_349 = arith.muli %parallel_loop3A_255, %parallel_loop3A_348 : i32
          %parallel_loop3A_350 = arith.constant 11 : i32
          %parallel_loop3A_351 = arith.addi %parallel_loop3A_349, %parallel_loop3A_350 : i32
          %parallel_loop3A_352 = arith.index_cast %parallel_loop3A_351 : i32 to index
          %parallel_loop3A_353 = arith.index_cast %parallel_loop3A_259 : i32 to index
          %parallel_loop3A_354 = tpu.vector_load %arg8[%parallel_loop3A_352, %parallel_loop3A_353] {strides = array<i32>} : memref<256x128xf32, #tpu.memory_space<vmem>>, vector<16xf32>,
          %parallel_loop3A_355 = vector.bitcast %parallel_loop3A_354 : vector<16xf32> to vector<32xbf16>
          %parallel_loop3A_356 = arith.constant 16 : i32
          %parallel_loop3A_357 = arith.muli %parallel_loop3A_255, %parallel_loop3A_356 : i32
          %parallel_loop3A_358 = arith.constant 12 : i32
          %parallel_loop3A_359 = arith.addi %parallel_loop3A_357, %parallel_loop3A_358 : i32
          %parallel_loop3A_360 = arith.index_cast %parallel_loop3A_359 : i32 to index
          %parallel_loop3A_361 = arith.index_cast %parallel_loop3A_259 : i32 to index
          %parallel_loop3A_362 = tpu.vector_load %arg8[%parallel_loop3A_360, %parallel_loop3A_361] {strides = array<i32>} : memref<256x128xf32, #tpu.memory_space<vmem>>, vector<16xf32>,
          %parallel_loop3A_363 = vector.bitcast %parallel_loop3A_362 : vector<16xf32> to vector<32xbf16>
          %parallel_loop3A_364 = arith.constant 16 : i32
          %parallel_loop3A_365 = arith.muli %parallel_loop3A_255, %parallel_loop3A_364 : i32
          %parallel_loop3A_366 = arith.constant 13 : i32
          %parallel_loop3A_367 = arith.addi %parallel_loop3A_365, %parallel_loop3A_366 : i32
          %parallel_loop3A_368 = arith.index_cast %parallel_loop3A_367 : i32 to index
          %parallel_loop3A_369 = arith.index_cast %parallel_loop3A_259 : i32 to index
          %parallel_loop3A_370 = tpu.vector_load %arg8[%parallel_loop3A_368, %parallel_loop3A_369] {strides = array<i32>} : memref<256x128xf32, #tpu.memory_space<vmem>>, vector<16xf32>,
          %parallel_loop3A_371 = vector.bitcast %parallel_loop3A_370 : vector<16xf32> to vector<32xbf16>
          %parallel_loop3A_372 = arith.constant 16 : i32
          %parallel_loop3A_373 = arith.muli %parallel_loop3A_255, %parallel_loop3A_372 : i32
          %parallel_loop3A_374 = arith.constant 14 : i32
          %parallel_loop3A_375 = arith.addi %parallel_loop3A_373, %parallel_loop3A_374 : i32
          %parallel_loop3A_376 = arith.index_cast %parallel_loop3A_375 : i32 to index
          %parallel_loop3A_377 = arith.index_cast %parallel_loop3A_259 : i32 to index
          %parallel_loop3A_378 = tpu.vector_load %arg8[%parallel_loop3A_376, %parallel_loop3A_377] {strides = array<i32>} : memref<256x128xf32, #tpu.memory_space<vmem>>, vector<16xf32>,
          %parallel_loop3A_379 = vector.bitcast %parallel_loop3A_378 : vector<16xf32> to vector<32xbf16>
          %parallel_loop3A_380 = arith.constant 16 : i32
          %parallel_loop3A_381 = arith.muli %parallel_loop3A_255, %parallel_loop3A_380 : i32
          %parallel_loop3A_382 = arith.constant 15 : i32
          %parallel_loop3A_383 = arith.addi %parallel_loop3A_381, %parallel_loop3A_382 : i32
          %parallel_loop3A_384 = arith.index_cast %parallel_loop3A_383 : i32 to index
          %parallel_loop3A_385 = arith.index_cast %parallel_loop3A_259 : i32 to index
          %parallel_loop3A_386 = tpu.vector_load %arg8[%parallel_loop3A_384, %parallel_loop3A_385] {strides = array<i32>} : memref<256x128xf32, #tpu.memory_space<vmem>>, vector<16xf32>,
          %parallel_loop3A_387 = vector.bitcast %parallel_loop3A_386 : vector<16xf32> to vector<32xbf16>
          %parallel_loop3A_388 = arith.minimumf %parallel_loop3A_267, %parallel_loop3A_275 : vector<32xbf16>
          %parallel_loop3A_389 = arith.maximumf %parallel_loop3A_267, %parallel_loop3A_275 : vector<32xbf16>
          %parallel_loop3A_390 = arith.minimumf %parallel_loop3A_283, %parallel_loop3A_291 : vector<32xbf16>
          %parallel_loop3A_391 = arith.maximumf %parallel_loop3A_283, %parallel_loop3A_291 : vector<32xbf16>
          %parallel_loop3A_392 = arith.minimumf %parallel_loop3A_299, %parallel_loop3A_307 : vector<32xbf16>
          %parallel_loop3A_393 = arith.maximumf %parallel_loop3A_299, %parallel_loop3A_307 : vector<32xbf16>
          %parallel_loop3A_394 = arith.minimumf %parallel_loop3A_315, %parallel_loop3A_323 : vector<32xbf16>
          %parallel_loop3A_395 = arith.maximumf %parallel_loop3A_315, %parallel_loop3A_323 : vector<32xbf16>
          %parallel_loop3A_396 = arith.minimumf %parallel_loop3A_388, %parallel_loop3A_390 : vector<32xbf16>
          %parallel_loop3A_397 = arith.maximumf %parallel_loop3A_388, %parallel_loop3A_390 : vector<32xbf16>
          %parallel_loop3A_398 = arith.minimumf %parallel_loop3A_389, %parallel_loop3A_391 : vector<32xbf16>
          %parallel_loop3A_399 = arith.maximumf %parallel_loop3A_389, %parallel_loop3A_391 : vector<32xbf16>
          %parallel_loop3A_400 = arith.minimumf %parallel_loop3A_392, %parallel_loop3A_394 : vector<32xbf16>
          %parallel_loop3A_401 = arith.maximumf %parallel_loop3A_392, %parallel_loop3A_394 : vector<32xbf16>
          %parallel_loop3A_402 = arith.minimumf %parallel_loop3A_393, %parallel_loop3A_395 : vector<32xbf16>
          %parallel_loop3A_403 = arith.maximumf %parallel_loop3A_393, %parallel_loop3A_395 : vector<32xbf16>
          %parallel_loop3A_404 = arith.minimumf %parallel_loop3A_398, %parallel_loop3A_397 : vector<32xbf16>
          %parallel_loop3A_405 = arith.maximumf %parallel_loop3A_398, %parallel_loop3A_397 : vector<32xbf16>
          %parallel_loop3A_406 = arith.minimumf %parallel_loop3A_402, %parallel_loop3A_401 : vector<32xbf16>
          %parallel_loop3A_407 = arith.maximumf %parallel_loop3A_402, %parallel_loop3A_401 : vector<32xbf16>
          %parallel_loop3A_408 = arith.minimumf %parallel_loop3A_396, %parallel_loop3A_400 : vector<32xbf16>
          %parallel_loop3A_409 = arith.maximumf %parallel_loop3A_396, %parallel_loop3A_400 : vector<32xbf16>
          %parallel_loop3A_410 = arith.minimumf %parallel_loop3A_404, %parallel_loop3A_406 : vector<32xbf16>
          %parallel_loop3A_411 = arith.maximumf %parallel_loop3A_404, %parallel_loop3A_406 : vector<32xbf16>
          %parallel_loop3A_412 = arith.minimumf %parallel_loop3A_405, %parallel_loop3A_407 : vector<32xbf16>
          %parallel_loop3A_413 = arith.maximumf %parallel_loop3A_405, %parallel_loop3A_407 : vector<32xbf16>
          %parallel_loop3A_414 = arith.minimumf %parallel_loop3A_399, %parallel_loop3A_403 : vector<32xbf16>
          %parallel_loop3A_415 = arith.maximumf %parallel_loop3A_399, %parallel_loop3A_403 : vector<32xbf16>
          %parallel_loop3A_416 = arith.minimumf %parallel_loop3A_412, %parallel_loop3A_409 : vector<32xbf16>
          %parallel_loop3A_417 = arith.maximumf %parallel_loop3A_412, %parallel_loop3A_409 : vector<32xbf16>
          %parallel_loop3A_418 = arith.minimumf %parallel_loop3A_414, %parallel_loop3A_411 : vector<32xbf16>
          %parallel_loop3A_419 = arith.maximumf %parallel_loop3A_414, %parallel_loop3A_411 : vector<32xbf16>
          %parallel_loop3A_420 = arith.minimumf %parallel_loop3A_410, %parallel_loop3A_416 : vector<32xbf16>
          %parallel_loop3A_421 = arith.maximumf %parallel_loop3A_410, %parallel_loop3A_416 : vector<32xbf16>
          %parallel_loop3A_422 = arith.minimumf %parallel_loop3A_418, %parallel_loop3A_417 : vector<32xbf16>
          %parallel_loop3A_423 = arith.maximumf %parallel_loop3A_418, %parallel_loop3A_417 : vector<32xbf16>
          %parallel_loop3A_424 = arith.minimumf %parallel_loop3A_419, %parallel_loop3A_413 : vector<32xbf16>
          %parallel_loop3A_425 = arith.maximumf %parallel_loop3A_419, %parallel_loop3A_413 : vector<32xbf16>
          %parallel_loop3A_426 = arith.minimumf %parallel_loop3A_331, %parallel_loop3A_339 : vector<32xbf16>
          %parallel_loop3A_427 = arith.maximumf %parallel_loop3A_331, %parallel_loop3A_339 : vector<32xbf16>
          %parallel_loop3A_428 = arith.minimumf %parallel_loop3A_347, %parallel_loop3A_355 : vector<32xbf16>
          %parallel_loop3A_429 = arith.maximumf %parallel_loop3A_347, %parallel_loop3A_355 : vector<32xbf16>
          %parallel_loop3A_430 = arith.minimumf %parallel_loop3A_363, %parallel_loop3A_371 : vector<32xbf16>
          %parallel_loop3A_431 = arith.maximumf %parallel_loop3A_363, %parallel_loop3A_371 : vector<32xbf16>
          %parallel_loop3A_432 = arith.minimumf %parallel_loop3A_379, %parallel_loop3A_387 : vector<32xbf16>
          %parallel_loop3A_433 = arith.maximumf %parallel_loop3A_379, %parallel_loop3A_387 : vector<32xbf16>
          %parallel_loop3A_434 = arith.minimumf %parallel_loop3A_426, %parallel_loop3A_428 : vector<32xbf16>
          %parallel_loop3A_435 = arith.maximumf %parallel_loop3A_426, %parallel_loop3A_428 : vector<32xbf16>
          %parallel_loop3A_436 = arith.minimumf %parallel_loop3A_427, %parallel_loop3A_429 : vector<32xbf16>
          %parallel_loop3A_437 = arith.maximumf %parallel_loop3A_427, %parallel_loop3A_429 : vector<32xbf16>
          %parallel_loop3A_438 = arith.minimumf %parallel_loop3A_430, %parallel_loop3A_432 : vector<32xbf16>
          %parallel_loop3A_439 = arith.maximumf %parallel_loop3A_430, %parallel_loop3A_432 : vector<32xbf16>
          %parallel_loop3A_440 = arith.minimumf %parallel_loop3A_431, %parallel_loop3A_433 : vector<32xbf16>
          %parallel_loop3A_441 = arith.maximumf %parallel_loop3A_431, %parallel_loop3A_433 : vector<32xbf16>
          %parallel_loop3A_442 = arith.minimumf %parallel_loop3A_436, %parallel_loop3A_435 : vector<32xbf16>
          %parallel_loop3A_443 = arith.maximumf %parallel_loop3A_436, %parallel_loop3A_435 : vector<32xbf16>
          %parallel_loop3A_444 = arith.minimumf %parallel_loop3A_440, %parallel_loop3A_439 : vector<32xbf16>
          %parallel_loop3A_445 = arith.maximumf %parallel_loop3A_440, %parallel_loop3A_439 : vector<32xbf16>
          %parallel_loop3A_446 = arith.minimumf %parallel_loop3A_434, %parallel_loop3A_438 : vector<32xbf16>
          %parallel_loop3A_447 = arith.maximumf %parallel_loop3A_434, %parallel_loop3A_438 : vector<32xbf16>
          %parallel_loop3A_448 = arith.minimumf %parallel_loop3A_442, %parallel_loop3A_444 : vector<32xbf16>
          %parallel_loop3A_449 = arith.maximumf %parallel_loop3A_442, %parallel_loop3A_444 : vector<32xbf16>
          %parallel_loop3A_450 = arith.minimumf %parallel_loop3A_443, %parallel_loop3A_445 : vector<32xbf16>
          %parallel_loop3A_451 = arith.maximumf %parallel_loop3A_443, %parallel_loop3A_445 : vector<32xbf16>
          %parallel_loop3A_452 = arith.minimumf %parallel_loop3A_437, %parallel_loop3A_441 : vector<32xbf16>
          %parallel_loop3A_453 = arith.maximumf %parallel_loop3A_437, %parallel_loop3A_441 : vector<32xbf16>
          %parallel_loop3A_454 = arith.minimumf %parallel_loop3A_450, %parallel_loop3A_447 : vector<32xbf16>
          %parallel_loop3A_455 = arith.maximumf %parallel_loop3A_450, %parallel_loop3A_447 : vector<32xbf16>
          %parallel_loop3A_456 = arith.minimumf %parallel_loop3A_452, %parallel_loop3A_449 : vector<32xbf16>
          %parallel_loop3A_457 = arith.maximumf %parallel_loop3A_452, %parallel_loop3A_449 : vector<32xbf16>
          %parallel_loop3A_458 = arith.minimumf %parallel_loop3A_448, %parallel_loop3A_454 : vector<32xbf16>
          %parallel_loop3A_459 = arith.maximumf %parallel_loop3A_448, %parallel_loop3A_454 : vector<32xbf16>
          %parallel_loop3A_460 = arith.minimumf %parallel_loop3A_456, %parallel_loop3A_455 : vector<32xbf16>
          %parallel_loop3A_461 = arith.maximumf %parallel_loop3A_456, %parallel_loop3A_455 : vector<32xbf16>
          %parallel_loop3A_462 = arith.minimumf %parallel_loop3A_457, %parallel_loop3A_451 : vector<32xbf16>
          %parallel_loop3A_463 = arith.maximumf %parallel_loop3A_457, %parallel_loop3A_451 : vector<32xbf16>
          %parallel_loop3A_464 = arith.minimumf %parallel_loop3A_408, %parallel_loop3A_453 : vector<32xbf16>
          %parallel_loop3A_465 = arith.minimumf %parallel_loop3A_420, %parallel_loop3A_463 : vector<32xbf16>
          %parallel_loop3A_466 = arith.minimumf %parallel_loop3A_421, %parallel_loop3A_462 : vector<32xbf16>
          %parallel_loop3A_467 = arith.minimumf %parallel_loop3A_422, %parallel_loop3A_461 : vector<32xbf16>
          %parallel_loop3A_468 = arith.minimumf %parallel_loop3A_423, %parallel_loop3A_460 : vector<32xbf16>
          %parallel_loop3A_469 = arith.minimumf %parallel_loop3A_424, %parallel_loop3A_459 : vector<32xbf16>
          %parallel_loop3A_470 = arith.minimumf %parallel_loop3A_425, %parallel_loop3A_458 : vector<32xbf16>
          %parallel_loop3A_471 = arith.minimumf %parallel_loop3A_415, %parallel_loop3A_446 : vector<32xbf16>
          %parallel_loop3A_472 = arith.maximumf %parallel_loop3A_408, %parallel_loop3A_453 : vector<32xbf16>
          %parallel_loop3A_473 = arith.maximumf %parallel_loop3A_420, %parallel_loop3A_463 : vector<32xbf16>
          %parallel_loop3A_474 = arith.maximumf %parallel_loop3A_421, %parallel_loop3A_462 : vector<32xbf16>
          %parallel_loop3A_475 = arith.maximumf %parallel_loop3A_422, %parallel_loop3A_461 : vector<32xbf16>
          %parallel_loop3A_476 = arith.maximumf %parallel_loop3A_423, %parallel_loop3A_460 : vector<32xbf16>
          %parallel_loop3A_477 = arith.maximumf %parallel_loop3A_424, %parallel_loop3A_459 : vector<32xbf16>
          %parallel_loop3A_478 = arith.maximumf %parallel_loop3A_425, %parallel_loop3A_458 : vector<32xbf16>
          %parallel_loop3A_479 = arith.maximumf %parallel_loop3A_415, %parallel_loop3A_446 : vector<32xbf16>
          %parallel_loop3A_480 = arith.maximumf %parallel_loop3A_464, %parallel_loop3A_465 : vector<32xbf16>
          %parallel_loop3A_481 = arith.maximumf %parallel_loop3A_466, %parallel_loop3A_467 : vector<32xbf16>
          %parallel_loop3A_482 = arith.maximumf %parallel_loop3A_468, %parallel_loop3A_469 : vector<32xbf16>
          %parallel_loop3A_483 = arith.maximumf %parallel_loop3A_470, %parallel_loop3A_471 : vector<32xbf16>
          %parallel_loop3A_484 = arith.minimumf %parallel_loop3A_472, %parallel_loop3A_473 : vector<32xbf16>
          %parallel_loop3A_485 = arith.minimumf %parallel_loop3A_474, %parallel_loop3A_475 : vector<32xbf16>
          %parallel_loop3A_486 = arith.minimumf %parallel_loop3A_476, %parallel_loop3A_477 : vector<32xbf16>
          %parallel_loop3A_487 = arith.minimumf %parallel_loop3A_478, %parallel_loop3A_479 : vector<32xbf16>
          %parallel_loop3A_488 = arith.maximumf %parallel_loop3A_480, %parallel_loop3A_481 : vector<32xbf16>
          %parallel_loop3A_489 = arith.maximumf %parallel_loop3A_482, %parallel_loop3A_483 : vector<32xbf16>
          %parallel_loop3A_490 = arith.minimumf %parallel_loop3A_484, %parallel_loop3A_485 : vector<32xbf16>
          %parallel_loop3A_491 = arith.minimumf %parallel_loop3A_486, %parallel_loop3A_487 : vector<32xbf16>
          %parallel_loop3A_492 = arith.maximumf %parallel_loop3A_488, %parallel_loop3A_489 : vector<32xbf16>
          %parallel_loop3A_493 = arith.minimumf %parallel_loop3A_490, %parallel_loop3A_491 : vector<32xbf16>
          %parallel_loop3A_494 = arith.addf %parallel_loop3A_492, %parallel_loop3A_493 : vector<32xbf16>
          %parallel_loop3A_495 = arith.constant 5.000000e-01 : bf16
          %parallel_loop3A_496 = vector.broadcast %parallel_loop3A_495 : bf16 to vector<32xbf16>
          %parallel_loop3A_497 = arith.mulf %parallel_loop3A_494, %parallel_loop3A_496 : vector<32xbf16>
          %parallel_loop3A_498 = tpu.unpack_subelements %parallel_loop3A_497, 0 {pack_format = #tpu.pack_format<interleaved>} : vector<32xbf16> -> vector<16xf32>
          %parallel_loop3A_499 = tpu.unpack_subelements %parallel_loop3A_497, 1 {pack_format = #tpu.pack_format<interleaved>} : vector<32xbf16> -> vector<16xf32>
          %parallel_loop3A_500 = arith.constant 256 : i32
          %parallel_loop3A_501 = arith.muli %parallel_loop3A_255, %parallel_loop3A_500 : i32
          %parallel_loop3A_502 = arith.constant 32 : i32
          %parallel_loop3A_503 = arith.muli %parallel_loop3A_257, %parallel_loop3A_502 : i32
          %parallel_loop3A_504 = arith.addi %parallel_loop3A_501, %parallel_loop3A_503 : i32
          %parallel_loop3A_505 = arith.constant 2 : i32
          %parallel_loop3A_506 = vector.broadcast %parallel_loop3A_505 : i32 to vector<16xi32>
          %parallel_loop3A_507 = arith.muli %parallel_loop3A_506, %iota3A : vector<16xi32>
          %parallel_loop3A_508 = vector.broadcast %parallel_loop3A_504 : i32 to vector<16xi32>
          %parallel_loop3A_509 = arith.addi %parallel_loop3A_508, %parallel_loop3A_507 : vector<16xi32>
          tpu.vector_store_idx %arg10[%parallel_loop3A_509], %parallel_loop3A_498 : memref<4096xf32, #tpu.memory_space<vmem>>[vector<16xi32>], vector<16xf32>,
          %parallel_loop3A_510 = arith.constant 1 : i32
          %parallel_loop3A_511 = vector.broadcast %parallel_loop3A_510 : i32 to vector<16xi32>
          %parallel_loop3A_512 = arith.addi %parallel_loop3A_509, %parallel_loop3A_511 : vector<16xi32>
          tpu.vector_store_idx %arg10[%parallel_loop3A_512], %parallel_loop3A_499 : memref<4096xf32, #tpu.memory_space<vmem>>[vector<16xi32>], vector<16xf32>,
        } {sc.loop_unroll_factor = 2 : i64, sc.parallel_access}
      } else {
      }
      %ge3A_218 = arith.constant 0 : i32
      %ge3A_219 = arith.cmpi sge, %add3A_143, %ge3A_218 : i32
      %mul3A_220 = arith.constant 32 : i32
      %mul3A_221 = arith.muli %mul3A_220, %add3A_143 : i32
      %add3A_222 = arith.addi %add3A, %mul3A_221 : i32
      %lt3A_223 = arith.constant 625 : i32
      %lt3A_224 = arith.cmpi slt, %add3A_222, %lt3A_223 : i32
      %and3A_225 = arith.andi %ge3A_219, %lt3A_224 : i1
      %convert_element_type3A_226 = arith.extui %and3A_225 : i1 to i32
      %cond3A_227 = arith.constant 0 : i32
      %cond3A_228 = arith.cmpi ne, %convert_element_type3A_226, %cond3A_227 : i32
      scf.if %cond3A_228 {
        %mul3A_229 = arith.constant 32 : i32
        %mul3A_230 = arith.muli %mul3A_229, %add3A_143 : i32
        %add3A_231 = arith.addi %add3A, %mul3A_230 : i32
        %mul3A_232 = arith.constant 16 : i32
        %mul3A_233 = arith.muli %add3A_231, %mul3A_232 : i32
        %mul3A_234 = arith.constant 256 : i32
        %mul3A_235 = arith.muli %mul3A_233, %mul3A_234 : i32
        %dma_start3A = tpu.memref_slice %arg4[%mul3A_235] : memref<2560000xf32, #tpu.memory_space<hbm>> -> memref<4096xf32, #tpu.memory_space<hbm>>
        %dma_start3A_236 = tpu.memref_slice %arg4[%mul3A_235] : memref<2560000xf32, #tpu.memory_space<hbm>> -> memref<4096xf32, #tpu.memory_space<hbm>>
        tpu.enqueue_dma source(%arg10 : memref<4096xf32, #tpu.memory_space<vmem>>) target(%dma_start3A_236 : memref<4096xf32, #tpu.memory_space<hbm>>) target_semaphore(%arg16 : memref<!tpu.dma_semaphore, #tpu.memory_space<semaphore_mem>>)
      } else {
      }
    }
    %scan3A_37 = arith.constant 10 : i32
    %add3A_38 = arith.constant 576 : i32
    %add3A_39 = arith.addi %add3A, %add3A_38 : i32
    %lt3A_40 = arith.constant 625 : i32
    %lt3A_41 = arith.cmpi slt, %add3A_39, %lt3A_40 : i32
    %and3A_42 = arith.constant true
    %and3A_43 = arith.andi %and3A_42, %lt3A_41 : i1
    %convert_element_type3A_44 = arith.extui %and3A_43 : i1 to i32
    %cond3A_45 = arith.constant 0 : i32
    %cond3A_46 = arith.cmpi ne, %convert_element_type3A_44, %cond3A_45 : i32
    scf.if %cond3A_46 {
      %add3A_56 = arith.constant 576 : i32
      %add3A_57 = arith.addi %add3A, %add3A_56 : i32
      %mul3A_58 = arith.constant 16 : i32
      %mul3A_59 = arith.muli %add3A_57, %mul3A_58 : i32
      %mul3A_60 = arith.constant 256 : i32
      %mul3A_61 = arith.muli %mul3A_59, %mul3A_60 : i32
      %dma_wait3A = tpu.memref_slice %arg4[%mul3A_61] : memref<2560000xf32, #tpu.memory_space<hbm>> -> memref<4096xf32, #tpu.memory_space<hbm>>
      %dma_wait3A_62 = tpu.memref_slice %arg4[%mul3A_61] : memref<2560000xf32, #tpu.memory_space<hbm>> -> memref<4096xf32, #tpu.memory_space<hbm>>
      tpu.wait_dma2 semaphore(%arg15 : memref<!tpu.dma_semaphore, #tpu.memory_space<semaphore_mem>>) src(%arg9 : memref<4096xf32, #tpu.memory_space<vmem>>) dst(%dma_wait3A_62 : memref<4096xf32, #tpu.memory_space<hbm>>)
    } else {
    }
    %add3A_47 = arith.constant 608 : i32
    %add3A_48 = arith.addi %add3A, %add3A_47 : i32
    %lt3A_49 = arith.constant 625 : i32
    %lt3A_50 = arith.cmpi slt, %add3A_48, %lt3A_49 : i32
    %and3A_51 = arith.constant true
    %and3A_52 = arith.andi %and3A_51, %lt3A_50 : i1
    %convert_element_type3A_53 = arith.extui %and3A_52 : i1 to i32
    %cond3A_54 = arith.constant 0 : i32
    %cond3A_55 = arith.cmpi ne, %convert_element_type3A_53, %cond3A_54 : i32
    scf.if %cond3A_55 {
      %add3A_56 = arith.constant 608 : i32
      %add3A_57 = arith.addi %add3A, %add3A_56 : i32
      %mul3A_58 = arith.constant 16 : i32
      %mul3A_59 = arith.muli %add3A_57, %mul3A_58 : i32
      %mul3A_60 = arith.constant 256 : i32
      %mul3A_61 = arith.muli %mul3A_59, %mul3A_60 : i32
      %dma_wait3A = tpu.memref_slice %arg4[%mul3A_61] : memref<2560000xf32, #tpu.memory_space<hbm>> -> memref<4096xf32, #tpu.memory_space<hbm>>
      %dma_wait3A_62 = tpu.memref_slice %arg4[%mul3A_61] : memref<2560000xf32, #tpu.memory_space<hbm>> -> memref<4096xf32, #tpu.memory_space<hbm>>
      tpu.wait_dma2 semaphore(%arg16 : memref<!tpu.dma_semaphore, #tpu.memory_space<semaphore_mem>>) src(%arg10 : memref<4096xf32, #tpu.memory_space<vmem>>) dst(%dma_wait3A_62 : memref<4096xf32, #tpu.memory_space<hbm>>)
    } else {
    }
    return
  }
}

module attributes {stable_mosaic.version = 14 : i64} {
  func.func @_mm_body(%arg0: i32, %arg1: memref<2000x256xf32, #tpu.memory_space<vmem>>, %arg2: memref<256x256xf32, #tpu.memory_space<vmem>>, %arg3: memref<2000x128xf32, #tpu.memory_space<vmem>>) attributes {dimension_semantics = [#tpu.dimension_semantics<arbitrary>], iteration_bounds = array<i64: 5>, scalar_prefetch = 0 : i64, scratch_operands = 0 : i64, tpu.core_type = #tpu.core_type<tc>, window_params = [{transform_indices = @transform_0, window_bounds = array<i64: 2000, 256>}, {pipeline_mode = #tpu.pipeline_mode<synchronous>, transform_indices = @transform_1, window_bounds = array<i64: 256, 256>}, {transform_indices = @transform_2, window_bounds = array<i64: 2000, 128>}]} {
    %get3A = arith.constant 0 : index
    %get3A_0 = arith.constant 0 : index
    %get3A_1 = vector.load %arg1[%get3A, %get3A_0] : memref<2000x256xf32, #tpu.memory_space<vmem>>, vector<2000x256xf32>
    %get3A_2 = arith.constant 0 : index
    %get3A_3 = arith.constant 0 : index
    %get3A_4 = vector.load %arg2[%get3A_2, %get3A_3] : memref<256x256xf32, #tpu.memory_space<vmem>>, vector<256x256xf32>
    %dot_general3A = arith.constant dense<0.000000e+00> : vector<2000x256xf32>
    %dot_general3A_5 = tpu.matmul %get3A_1, %get3A_4, %dot_general3A {dimension_numbers = #tpu.dot_dimension_numbers<[1], [1], [0], [0], [0, 0, 1, 0], [], []>, transpose_lhs_hint = false} : vector<2000x256xf32>, vector<256x256xf32>, vector<2000x256xf32> -> vector<2000x256xf32>
    %convert_element_type3A = arith.truncf %dot_general3A_5 : vector<2000x256xf32> to vector<2000x256xbf16>
    %bitcast_convert_type3A = tpu.bitcast %convert_element_type3A : vector<2000x256xbf16> -> vector<2000x256xi16>
    %convert_element_type3A_6 = arith.extui %bitcast_convert_type3A : vector<2000x256xi16> to vector<2000x256xi32>
    %slice3A = vector.extract_strided_slice %convert_element_type3A_6 {offsets = [0, 0], sizes = [2000, 128], strides = [1, 1]} : vector<2000x256xi32> to vector<2000x128xi32>
    %slice3A_7 = vector.extract_strided_slice %convert_element_type3A_6 {offsets = [0, 128], sizes = [2000, 128], strides = [1, 1]} : vector<2000x256xi32> to vector<2000x128xi32>
    %shift_left3A = arith.constant 16 : i32
    %shift_left3A_8 = vector.broadcast %shift_left3A : i32 to vector<2000x128xi32>
    %shift_left3A_9 = arith.shli %slice3A_7, %shift_left3A_8 : vector<2000x128xi32>
    %or3A = arith.ori %slice3A, %shift_left3A_9 : vector<2000x128xi32>
    %bitcast_convert_type3A_10 = tpu.bitcast %or3A : vector<2000x128xi32> -> vector<2000x128xf32>
    %swap3A = arith.constant 0 : index
    %swap3A_11 = arith.constant 0 : index
    %swap3A_12 = vector.load %arg3[%swap3A, %swap3A_11] : memref<2000x128xf32, #tpu.memory_space<vmem>>, vector<2000x128xf32>
    tpu.vector_store %arg3[%swap3A, %swap3A_11], %bitcast_convert_type3A_10 {strides = array<i32>} : memref<2000x128xf32, #tpu.memory_space<vmem>>, vector<2000x128xf32>,
    return
  }
  func.func @transform_0(%arg0: i32) -> (i32, i32) {
    %c0_i32 = arith.constant 0 : i32
    %c0_i32_0 = arith.constant 0 : i32
    return %arg0, %c0_i32 : i32, i32
  }
  func.func @transform_1(%arg0: i32) -> (i32, i32) {
    %c0_i32 = arith.constant 0 : i32
    %c0_i32_0 = arith.constant 0 : i32
    %c0_i32_1 = arith.constant 0 : i32
    return %c0_i32, %c0_i32_0 : i32, i32
  }
  func.func @transform_2(%arg0: i32) -> (i32, i32) {
    %c0_i32 = arith.constant 0 : i32
    %c0_i32_0 = arith.constant 0 : i32
    return %arg0, %c0_i32 : i32, i32
  }
}

</mosaic_0001>

<sc_bundles>
// kernel: kernel.4.cloned.1.call-start
scs
__scs_entry_jumppad:
0x0: {  	(pc) =	sbr.rel $0x88, $3  }
0x1: {  	(tag) =	ssettag $0x0;
	lr =	simm.s32 $0x1  }
0x2: {  	[smem:$0x3F9E] =	sst lr;
	_ =	strace $0xD0000000  }
0x3: {  	_ = 	snop  }
0x4: {  	_ = 	snop  }
0x5: {  	_ = 	snop  }
0x6: {  	_ = 	snop  }
0x7: {  	_ = 	snop  }
__scs_overlays_trampoline_lowered:
0x8: {  	[smem:$0x3FAD] =	sst s0  }
0x9: {  	[smem:$0x3FAE] =	sst s1  }
0xa: {  	[smem:$0x3FAF] =	sst s2  }
0xb: {  	[smem:$0x3FB0] =	sst s3  }
0xc: {  	[smem:$0x3FB1] =	sst s4  }
0xd: {  	[smem:$0x3FB2] =	sst s5  }
0xe: {  	[smem:$0x3FB3] =	sst s6  }
0xf: {  	[smem:$0x3FB4] =	sst s7  }
0x10: {  	[smem:$0x3FB5] =	sst s8  }
0x11: {  	[smem:$0x3FB6] =	sst s9;
	s0 =	simm.s32 @!p0 $0x0  }
0x12: {  	s1 =	sld [smem:$0x3F9C];
	s0 =	simm.s32 @p0 $0x1  }
0x13: {  	[smem:$0x3FB7] =	sst s0;
	s0 =	simm.s32 @!p1 $0x0  }
0x14: {  	s2 =	sld [smem:$0x3F9B];
	s0 =	simm.s32 @p1 $0x1  }
0x15: {  	[smem:$0x3FB8] =	sst s0;
	s0 =	simm.s32 @!p2 $0x0  }
0x16: {  	s3 =	sld [smem:$0x3FDB];
	s0 =	simm.s32 @p2 $0x1  }
0x17: {  	s4 =	simm.s32 $0x1BF5;
	[smem:$0x3FBA] =	sst s0  }
0x18: {  	s0 =	sld [smem:$0x3F9D];
	_ =	swait.ge [sflag:s4], $0x0  }
0x19: {  	s7 =	sld [smem:$0x3F9E]  }
0x1a: {  	s8 =	sadd.s32 $0xFFFFE003, lr  }
0x1b: {  	s9 =	sadd.s32 $0xFFFFFEF7, lr;
	s5 =	simm.s32 $0xFFFFFFFF;
	p2 =	slt.u32 s8, $0xFFFFF086  }
0x1c: {  	p1 =	slt.u32 s9, $0xF7A;
	s5 =	simm.s32 @!p2 $0x0  }
0x1d: {  	s5 =	simm.s32 @p1 $0x1;
	p0 =	seq.s32 s7, s2  }
0x1e: {  	s7 =	smul.u32 @!p0 $0xF7A, s2;
	p2 =	seq.s32 @!p0 s5, $0x0  }
0x1f: {  	s9 =	smul.u32 $0xF7A, s1;
	s8 =	simm.s32 @!p0 $0x1BF5;
	p2 =	por !p2, p0  }
0x20: {  	[sflag:s8] =	ssyncset.s32 @!p0 $0xFFFFF086;
	s6 =	sadd.s32 @!p0 s3, s7;
	s7 =	simm.s32 @!p0 $0x108  }
0x21: {  	s3 =	sadd.s32 s3, s9;
	s6 =	sadd.s32 @!p0 $0x88, s6;
	s7 =	simm.s32 @p2 $0x1082  }
0x22: {  	[simem:s7], [sflag:s8] =	dma.local @!p0 [hbm:s6], $0xF7A  }
0x23: {  	s9 =	sor.u32 $0xD0000000, s2;
	s6 =	simm.s32 $0x108;
	_ =	swait.ge @!p0 [sflag:s8], $0x0  }
0x24: {  	s3 =	sadd.s32 $0x88, s3;
	s6 =	simm.s32 @!p1 $0x1082;
	[sflag:s4] =	ssyncset.s32 $0xFFFFF086  }
0x25: {  	[simem:s6], [sflag:s4] =	dma.local [hbm:s3], $0xF7A  }
0x26: {  	[smem:$0x3F9E] =	sst s1;
	(tag) =	ssettag s2;
	_ =	strace s9  }
0x27: {  	s1 =	sld [smem:$0x3FAE]  }
0x28: {  	s2 =	sld [smem:$0x3FAF]  }
0x29: {  	s4 =	sld [smem:$0x3FB1]  }
0x2a: {  	p0 =	seq.s32 s5, $0x0;
	s5 =	sld [smem:$0x3FB2]  }
0x2b: {  	s6 =	sld [smem:$0x3FB3]  }
0x2c: {  	s7 =	sld [smem:$0x3FB4]  }
0x2d: {  	s3 =	simm.s32 $0x108;
	s8 =	sld [smem:$0x3FB5]  }
0x2e: {  	s3 =	simm.s32 @!p0 $0x1082;
	s9 =	sld [smem:$0x3FB6]  }
0x2f: {  	lr =	sadd.s32 s0, s3;
	s0 =	sld [smem:$0x3FAD]  }
0x30: {  	s3 =	sld [smem:$0x3FB0]  }
0x31: {  	[smem:$0x3FB9] =	sst s10  }
0x32: {  	s10 =	sld [smem:$0x3FB7];
	_ =	sdelay $0x3  }
0x33: {  	p0 =	seq.s32 s10, $0x1;
	s10 =	sld [smem:$0x3FB9];
	_ =	sdelay $0x3  }
0x34: {  	[smem:$0x3FB9] =	sst s10  }
0x35: {  	s10 =	sld [smem:$0x3FB8];
	_ =	sdelay $0x3  }
0x36: {  	p1 =	seq.s32 s10, $0x1;
	s10 =	sld [smem:$0x3FB9];
	_ =	sdelay $0x3  }
0x37: {  	[smem:$0x3FB9] =	sst s10  }
0x38: {  	s10 =	sld [smem:$0x3FBA]  }
0x39: {  	_ = 	snop;
	(pc) =	sbr.ind lr, $3  }
0x3a: {  	_ = 	snop  }
0x3b: {  	_ = 	snop  }
0x3c: {  	p2 =	seq.s32 s10, $0x1;
	s10 =	sld [smem:$0x3FB9]  }
0x3d: {  	_ =	shalt  }
0x3e: {  	_ =	shalt  }
0x3f: {  	_ =	shalt  }
0x40: {  	_ =	shalt  }
0x41: {  	_ =	shalt  }
0x42: {  	_ =	shalt  }
0x43: {  	_ =	shalt  }
0x44: {  	_ =	shalt  }
0x45: {  	_ =	shalt  }
0x46: {  	_ =	shalt  }
0x47: {  	_ =	shalt  }
0x48: {  	_ =	shalt  }
0x49: {  	_ =	shalt  }
0x4a: {  	_ =	shalt  }
0x4b: {  	_ =	shalt  }
0x4c: {  	_ =	shalt  }
0x4d: {  	_ =	shalt  }
0x4e: {  	_ =	shalt  }
0x4f: {  	_ =	shalt  }
0x50: {  	_ =	shalt  }
0x51: {  	_ =	shalt  }
0x52: {  	_ =	shalt  }
0x53: {  	_ =	shalt  }
0x54: {  	_ =	shalt  }
0x55: {  	_ =	shalt  }
0x56: {  	_ =	shalt  }
0x57: {  	_ =	shalt  }
0x58: {  	_ =	shalt  }
0x59: {  	_ =	shalt  }
0x5a: {  	_ =	shalt  }
0x5b: {  	_ =	shalt  }
0x5c: {  	_ =	shalt  }
0x5d: {  	_ =	shalt  }
0x5e: {  	_ =	shalt  }
0x5f: {  	_ =	shalt  }
0x60: {  	_ =	shalt  }
0x61: {  	_ =	shalt  }
0x62: {  	_ =	shalt  }
0x63: {  	_ =	shalt  }
0x64: {  	_ =	shalt  }
0x65: {  	_ =	shalt  }
0x66: {  	_ =	shalt  }
0x67: {  	_ =	shalt  }
0x68: {  	_ =	shalt  }
0x69: {  	_ =	shalt  }
0x6a: {  	_ =	shalt  }
0x6b: {  	_ =	shalt  }
0x6c: {  	_ =	shalt  }
0x6d: {  	_ =	shalt  }
0x6e: {  	_ =	shalt  }
0x6f: {  	_ =	shalt  }
0x70: {  	_ =	shalt  }
0x71: {  	_ =	shalt  }
0x72: {  	_ =	shalt  }
0x73: {  	_ =	shalt  }
0x74: {  	_ =	shalt  }
0x75: {  	_ =	shalt  }
0x76: {  	_ =	shalt  }
0x77: {  	_ =	shalt  }
0x78: {  	_ =	shalt  }
0x79: {  	_ =	shalt  }
0x7a: {  	_ =	shalt  }
0x7b: {  	_ =	shalt  }
0x7c: {  	_ =	shalt  }
0x7d: {  	_ =	shalt  }
0x7e: {  	_ =	shalt  }
0x7f: {  	_ =	shalt  }
0x80: {  	_ =	shalt  }
0x81: {  	_ =	shalt  }
0x82: {  	_ =	shalt  }
0x83: {  	_ =	shalt  }
0x84: {  	_ =	shalt  }
0x85: {  	_ =	shalt  }
0x86: {  	_ =	shalt  }
0x87: {  	_ =	shalt  }
.Lfunc_end0:
.L_simem_size_0:
called_computation_lowered:
.L_overlay_start_0:
0x88: {  	s2 =	sld [smem:$0x3FD9]  }
0x89: {  	s3 =	sld [smem:$0x3FFE];
	_ =	sdelay $0x1  }
0x8a: {  	s1 =	srdreg.scid  }
0x8b: {  	s0 =	sand.u32 $0x1, s1  }
0x8c: {  	s17 =	sshll.u32 s0, $0xA;
	s2 =	sadd.s32 s3, s2  }
0x8d: {  	s2 =	sadd.s32 s2, s17  }
0x8e: {  	[smem:$0x3FC5] =	sst s2  }
0x8f: {  	_ = 	snop  }
0x90: {  	s2 =	sld [smem:$0x3FD0];
	(tm) =	ssettm $0x1  }
0x91: {  	s18 =	sld [smem:$0x3FFB];
	_ =	sdelay $0x3  }
0x92: {  	_ =	strace s18  }
0x93: {  	s3 =	sld [smem:$0x3FFC];
	_ =	sdelay $0x3  }
0x94: {  	_ =	strace s3  }
0x95: {  	s3 =	sld [smem:$0x3FFD];
	_ =	sdelay $0x3  }
0x96: {  	_ =	strace s3  }
0x97: {  	_ =	strace $0x8FFFFFFF  }
0x98: {  	s19 =	sld [smem:$0x3FDB];
	_ =	sdelay $0x1  }
0x99: {  	s4 =	simm.s32 $_scs_section_size  }
0x9a: {  	s5 =	simm.s32 $_size__tile_overlayer_lowered;
	s6 =	simm.s32 $_tile_overlayer_lowered  }
0x9b: {  	s22 =	simm.s32 $0x1BFF;
	s21 =	sshll.u32 s6, $0x1;
	s3 =	sadd.s32 s4, s19  }
0x9c: {  	s7 =	simm.s32 $0x0;
	s20 =	sshll.u32 s5, $0x1;
	s5 =	sadd.s32 s21, s3  }
0x9d: {  	[timem:s7], [sflag:s22] =	dma.local [hbm:s5], s20  }
0x9e: {  	_ =	swait.ge [sflag:s22], s20  }
0x9f: {  	s4 =	ssub.s32 $0x0, s20;
	[sflag:s22] =	ssyncset.done $0x0  }
0xa0: {  	[sflag:s22] =	ssyncadd.s32 s4;
	_ =	sdelay $0x1  }
0xa1: {  	s23 =	simm.s32 $0x1B8B  }
0xa2: {  	_ =	swait.ge [sflag:s23], $0x1  }
0xa3: {  	[sflag:s23] =	ssyncset.done $0x0  }
0xa4: {  	s25 =	simm.s32 $0x1B8E;
	s24 =	sld [smem:$0x3FFE];
	[sflag:s23] =	ssyncadd.s32 $0xFFFFFFFF  }
0xa5: {  	s26 =	simm.s32 $execute0_lowered;
	[smem:$0x3FD2] =	sst s25  }
0xa6: {  	s5 =	sshll.u32 s26, $0x1;
	_ =	strace $0x80000046;
	[dreg:$0x1] =	wrdreg $0xFFFFFFFF  }
0xa7: {  	s28 =	simm.s32 $_size_execute0_lowered;
	s3 =	sadd.s32 s3, s5;
	[dreg:$0x0] =	wrdreg $0x0  }
0xa8: {  	s5 =	sshll.u32 s28, $0x1;
	[dreg:$0x2] =	wrdreg s3  }
0xa9: {  	[dreg:$0x3] =	wrdreg s5  }
0xaa: {  	[dreg:$0x4] =	wrdreg $0xC0  }
0xab: {  	_ =	task [dreg:s7], $0x5FFFF  }
0xac: {  	[dreg:$0x1] =	wrdreg $0xFFFFFFFF  }
0xad: {  	[dreg:$0x0] =	wrdreg $0x60  }
0xae: {  	[dreg:$0x2] =	wrdreg s2  }
0xaf: {  	[dreg:$0x3] =	wrdreg s24  }
0xb0: {  	[dreg:$0x4] =	wrdreg $0x9  }
0xb1: {  	_ =	task.clear_ibuf [dreg:s7], $0x5FFFF;
	_ =	strace $0x90000046  }
0xb2: {  	s29 =	simm.s32 $0x9;
	_ =	strace $0x80000048  }
0xb3: {  	_ =	swait.ge [sflag:s29], $0x1  }
0xb4: {  	[sflag:s29] =	ssyncadd.s32 $0xFFFFFFFF  }
0xb5: {  	_ =	strace $0x90000048  }
0xb6: {  	_ =	sfence  }
0xb7: {  	s30 =	sld [smem:$0x0];
	_ =	sdelay $0x2  }
0xb8: {  	s31 =	sshll.u32 s1, $0xD;
	s1 =	sshrl.u32 s1, $0x2  }
0xb9: {  	s3 =	sand.u32 $0x4000, s31;
	s1 =	sadd.s32 s1, s30  }
0xba: {  	s0 =	sor.u32 s3, s0;
	s1 =	sshll.u32 s1, $0x11  }
0xbb: {  	s0 =	sor.u32 s1, s0  }
0xbc: {  	s0 =	sadd.s32 $0x8F2B, s0  }
0xbd: {  	[sflag:s0] =	ssyncadd.remote.s32 $0x1  }
0xbe: {  	_ =	sfence.sel $0xFFFF  }
0xbf: {  	[dreg:$0x0] =	wrdreg $0xFFFFFFFF;
	(pc) =	sbr.abs _section_cstart, $3  }
0xc0: {  	[dreg:$0x1] =	wrdreg $0xFFFFFFFF  }
0xc1: {  	_ =	task.clear_ibuf [dreg:s7], $0x2FFFF;
	_ =	strace $0x9FFFFFFF  }
0xc2: {  	(tm) =	ssettm $0x7FFFFFFF  }
0xc3: {  	_ =	shalt  }
tec
execute0_lowered:
.L_overlay_start_1:
0x0: {  	(tag) =	ssettag $0x1  }
0x1: {  	s0 =	rddreg [dreg:$0x1];
	s1 =	srdreg.scid  }
0x2: {  	s4 =	simm.s32 $0x0;
	s3 =	stileid.u32;
	s1 =	sand.u32 $0x1, s1  }
0x3: {  	[smem:$0x7FF] =	sst s4;
	s5 =	sadd.s32 $0x800, s0;
	s0 =	sadd.s32 $0x5800, s0  }
0x4: {  	s2 =	sshll.u32 s1, $0x4;
	s1 =	ssub.s32 $0x2, s1;
	_ =	strace $0x80000047  }
0x5: {  	[dreg:$0x5] =	wrdreg s0;
	s25 =	sor.u32 s3, s2;
	s26 =	sshrl.u32 s1, $0x1  }
0x6: {  	s2 =	sshll.u32 s25, $0x5;
	s30 =	sor.u32 $0x40, s25;
	[dreg:$0x3] =	wrdreg s25  }
.Ltmp0:
0x7: {  	v0 =	vlaneseq.u32;
	s31 =	sor.u32 $0x60, s25;
	[dreg:$0x7] =	wrdreg s30;
	(pc) =	sbr.rel .LBB2_1-.Ltmp0, $4  }
0x8: {  	v1 =	vand.u32 $0x3, v0;
	s28 =	ssub.s32 s1, s26;
	s2 =	sadd.s32 s5, s2;
	[dreg:$0x8] =	wrdreg s31  }
0x9: {  	s16 =	simm.s32 $0x10200;
	v0 =	vmul.u32 $0x2, v0;
	v2 =	vmul.u32 $0x2, v1;
	s0 =	smax.u32 s28, $0x1;
	[dreg:$0x4] =	wrdreg s2  }
0xa: {  	s17 =	simm.s32 $0x11200;
	s29 =	sadd.s32 $0x400, s2;
	[dreg:$0x9] =	wrdreg s0  }
0xb: {  	v1 =	vimm.bf16 $5.0000e-01;
	v3 =	vor.u32 $0x1, v0;
	v2 =	vor.u32 $0xFFFFFFF8, v2;
	p0 =	sgt.u32 s25, $0x10;
	s2 =	simm.s32 $0x0;
	[dreg:$0x6] =	wrdreg s29  }
.LBB2_9:
0xc: {  	s0 =	simm.s32 $0x5  }
0xd: {  	_ =	swait.ge [sflag:s0], $0x1000  }
0xe: {  	[sflag:s0] =	ssyncset.done $0x0  }
0xf: {  	[sflag:s0] =	ssyncadd.s32 $0xFFFFF000;
	s0 =	simm.s32 @!p0 $0x6  }
0x10: {  	_ =	swait.ge @!p0 [sflag:s0], $0x1000  }
0x11: {  	s2 =	rddreg [dreg:$0xa]  }
0x12: {  	s1 =	rddreg [dreg:$0x9];
	s2 =	sadd.s32 $0x1, s2  }
0x13: {  	p1 =	sne.s32 s2, s1  }
.Ltmp1:
0x14: {  	_ = 	snop;
	(pc) =	sbr.rel @!p1 .LBB2_10-.Ltmp1, $3  }
0x15: {  	_ =	sdelay $0x1  }
0x16: {  	[sflag:s0] =	ssyncset.done @!p0 $0x0  }
0x17: {  	[sflag:s0] =	ssyncadd.s32 @!p0 $0xFFFFF000  }
.LBB2_1:
0x18: {  	[dreg:$0xa] =	wrdreg s2  }
0x19: {  	s1 =	simm.s32 $0x0;
	s0 =	rddreg [dreg:$0x4]  }
0x1a: {  	[tilespmem:s1], [sflag:$0x1] =	stream.linear.gather [hbm4b:s0+s1], $0x100, $0x38;
	[tilespmem:$0x12200] =	vst v63  }
0x1b: {  	s29 =	rddreg [dreg:$0x6];
	s30 =	simm.s32 $0x100;
	s31 =	simm.s32 $0x1  }
0x1c: {  	[tilespmem:s30], [sflag:$0x2] =	stream.linear.gather [hbm4b:s29+s1], $0x100, $0x38;
	[tilespmem:$0x12200] =	vst v63  }
.Ltmp2:
0x1d: {  	_ =	swait.ge [sflag:s31], $0x100;
	(pc) =	sbr.rel .LBB2_2-.Ltmp2, $4  }
0x1e: {  	[sflag:s31] =	ssyncset.done $0x0  }
0x1f: {  	[sflag:s31] =	ssyncadd.s32 $0xFFFFFF00  }
0x20: {  	s3 =	simm.s32 $0x200;
	s20 =	simm.s32 $0x0;
	s0 =	rddreg [dreg:$0x0]  }
0x21: {  	[tilespmem:s3], [sflag:$0x3] =	stream.indirect.gather [hbm4b:s0+s30], $0x80, s1, s30, $0xb8;
	[tilespmem:$0x12200] =	vst v63  }
.LBB2_8:
0x22: {  	s20 =	sadd.s32 $0x1, s20  }
0x23: {  	p1 =	sne.s32 s20, $0xA  }
.Ltmp3:
0x24: {  	_ = 	snop;
	(pc) =	sbr.rel @!p1 .LBB2_9-.Ltmp3, $1  }
0x25: {  	_ =	sdelay $0x3  }
.LBB2_2:
0x26: {  	s22 =	sshll.u32 s20, $0x6;
	s0 =	rddreg [dreg:$0x7];
	s2 =	simm.s32 $0x3  }
0x27: {  	s0 =	sadd.s32 s0, s22;
	_ =	swait.ge [sflag:s2], $0x8000  }
0x28: {  	p1 =	sgt.u32 s0, $0x270;
	s1 =	rddreg [dreg:$0x3];
	[sflag:s2] =	ssyncset.done $0x0  }
0x29: {  	s23 =	sor.u32 s1, s22;
	s0 =	sshll.u32 @!p1 s0, $0x5;
	[sflag:s2] =	ssyncadd.s32 $0xFFFF8000  }
0x2a: {  	s1 =	simm.s32 @!p1 $0x0;
	s0 =	sadd.s32 @!p1 s5, s0;
	s21 =	sor.u32 $0x20, s23  }
0x2b: {  	[tilespmem:s1], [sflag:$0x1] =	stream.linear.gather @!p1 [hbm4b:s0+s1], $0x100, $0x38;
	[tilespmem:$0x12200] =	vst v63  }
0x2c: {  	p2 =	sgt.u32 s21, $0x270  }
0x2d: {  	s0 =	simm.s32 @!p2 $0x2  }
0x2e: {  	_ =	swait.ge @!p2 [sflag:s0], $0x100  }
0x2f: {  	[sflag:s0] =	ssyncset.done @!p2 $0x0  }
0x30: {  	p3 =	seq.s32 s20, $0x0;
	s7 =	simm.s32 $0x0;
	[sflag:s0] =	ssyncadd.s32 @!p2 $0xFFFFFF00  }
0x31: {  	s1 =	simm.s32 @!p2 $0x8200;
	s0 =	simm.s32 @!p2 $0x100;
	s2 =	rddreg [dreg:$0x0]  }
0x32: {  	[tilespmem:s1], [sflag:$0x4] =	stream.indirect.gather @!p2 [hbm4b:s2+s0], $0x80, s0, s0, $0xb8;
	[tilespmem:$0x12200] =	vst v63  }
0x33: {  	s8 =	simm.s32 $0x0;
	s24 =	sand.u32 $0x6, s7;
	s1 =	simm.s32 @!p3 $0x5  }
0x34: {  	s25 =	sor.u32 $0x1, s24;
	s0 =	sand.u32 $0x3FFFF800, s8;
	_ =	swait.ge @!p3 [sflag:s1], $0x1000  }
0x35: {  	s10 =	sshll.u32 s25, $0x4;
	s29 =	sor.u32 $0x200, s0;
	[sflag:s1] =	ssyncset.done @!p3 $0x0  }
0x36: {  	s28 =	sor.u32 $0x280, s0;
	s9 =	sor.u32 s10, s29;
	[sflag:s1] =	ssyncadd.s32 @!p3 $0xFFFFF000  }
0x37: {  	s26 =	sor.u32 $0x300, s0;
	s11 =	sor.u32 s10, s28;
	v4 =	vld [tilespmem:s9+$0x0]  }
0x38: {  	s19 =	sor.u32 $0x380, s0;
	s12 =	sor.u32 s10, s26;
	v5 =	vld [tilespmem:s11+$0x0]  }
0x39: {  	s18 =	sor.u32 $0x400, s0;
	s13 =	sor.u32 s10, s19;
	v6 =	vld [tilespmem:s12+$0x0]  }
0x3a: {  	s14 =	sor.u32 $0x480, s0;
	s15 =	sor.u32 s10, s18;
	v7 =	vld [tilespmem:s13+$0x0]  }
0x3b: {  	s8 =	sor.u32 $0x700, s0;
	s30 =	sor.u32 s10, s14;
	v8 =	vld [tilespmem:s15+$0x0]  }
0x3c: {  	s6 =	sor.u32 $0x780, s0;
	s7 =	sor.u32 s10, s8;
	v9 =	vld [tilespmem:s30+$0x0]  }
0x3d: {  	s13 =	sor.u32 $0x500, s0;
	v14 =	vld [tilespmem:s7+$0x0];
	s15 =	sor.u32 s10, s6  }
0x3e: {  	s12 =	sor.u32 $0x580, s0;
	s31 =	sor.u32 s10, s13;
	v15 =	vld [tilespmem:s15+$0x0]  }
0x3f: {  	s11 =	sor.u32 $0x600, s0;
	s2 =	sor.u32 s10, s12;
	v10 =	vld [tilespmem:s31+$0x0]  }
0x40: {  	s9 =	sor.u32 $0x680, s0;
	s3 =	sor.u32 s10, s11;
	v11 =	vld [tilespmem:s2+$0x0]  }
0x41: {  	s4 =	sor.u32 s10, s9;
	v12 =	vld [tilespmem:s3+$0x0]  }
0x42: {  	v13 =	vld [tilespmem:s4+$0x0];
	s4 =	sadd.s32 $0x800, s0  }
0x43: {  	s3 =	sadd.s32 $0x880, s0;
	s30 =	sor.u32 s10, s4  }
0x44: {  	s2 =	sadd.s32 $0x900, s0;
	s31 =	sor.u32 s10, s3;
	v16 =	vld [tilespmem:s30+$0x0];
	v20 =	vmin.bf16 v4, v5;
	v4 =	vmax.bf16 v4, v5  }
0x45: {  	s0 =	sadd.s32 $0x980, s0;
	s7 =	sor.u32 s10, s2;
	v17 =	vld [tilespmem:s31+$0x0];
	v5 =	vmin.bf16 v6, v7;
	v6 =	vmax.bf16 v6, v7;
	v7 =	vmin.bf16 v8, v9  }
0x46: {  	s15 =	sor.u32 s10, s0;
	v18 =	vld [tilespmem:s7+$0x0];
	v8 =	vmax.bf16 v8, v9;
	v9 =	vmin.bf16 v10, v11;
	v10 =	vmax.bf16 v10, v11  }
0x47: {  	v19 =	vld [tilespmem:s15+$0x0];
	v11 =	vmin.bf16 v12, v13;
	v12 =	vmax.bf16 v12, v13;
	v13 =	vmin.bf16 v14, v15  }
0x48: {  	v14 =	vmax.bf16 v14, v15;
	v22 =	vmin.bf16 v7, v9;
	v23 =	vmax.bf16 v8, v10  }
0x49: {  	v24 =	vmin.bf16 v11, v13;
	v25 =	vmax.bf16 v12, v14;
	v7 =	vmax.bf16 v7, v9  }
0x4a: {  	v8 =	vmin.bf16 v8, v10;
	v9 =	vmax.bf16 v11, v13;
	v10 =	vmin.bf16 v12, v14  }
0x4b: {  	v15 =	vmin.bf16 v16, v17;
	v16 =	vmax.bf16 v16, v17;
	v17 =	vmin.bf16 v20, v5  }
0x4c: {  	v21 =	vmin.bf16 v18, v19;
	v18 =	vmax.bf16 v18, v19;
	v19 =	vmax.bf16 v4, v6  }
0x4d: {  	v5 =	vmax.bf16 v20, v5;
	v4 =	vmin.bf16 v4, v6;
	v26 =	vmin.bf16 v15, v21  }
0x4e: {  	v6 =	vmax.bf16 v16, v18;
	v11 =	vmax.bf16 v15, v21;
	v12 =	vmin.bf16 v16, v18  }
0x4f: {  	v13 =	vmin.bf16 v17, v22;
	v14 =	vmax.bf16 v19, v23;
	v16 =	vmax.bf16 v17, v22  }
0x50: {  	v17 =	vmin.bf16 v19, v23;
	v19 =	vmin.bf16 v4, v5;
	v4 =	vmax.bf16 v4, v5  }
0x51: {  	v5 =	vmin.bf16 v8, v7;
	v7 =	vmax.bf16 v8, v7;
	v8 =	vmin.bf16 v10, v9  }
0x52: {  	v9 =	vmax.bf16 v10, v9;
	v15 =	vmin.bf16 v24, v26;
	v18 =	vmax.bf16 v25, v6  }
0x53: {  	v20 =	vmax.bf16 v24, v26;
	v6 =	vmin.bf16 v25, v6;
	v10 =	vmin.bf16 v12, v11  }
0x54: {  	v11 =	vmax.bf16 v12, v11;
	v22 =	vmin.bf16 v19, v5;
	v5 =	vmax.bf16 v19, v5  }
0x55: {  	v12 =	vmin.bf16 v13, v18;
	v21 =	vmin.bf16 v14, v15;
	v13 =	vmax.bf16 v13, v18  }
0x56: {  	v14 =	vmax.bf16 v14, v15;
	v15 =	vmax.bf16 v4, v7;
	v18 =	vmin.bf16 v8, v10  }
0x57: {  	v23 =	vmax.bf16 v9, v11;
	v4 =	vmin.bf16 v4, v7;
	v7 =	vmax.bf16 v8, v10  }
0x58: {  	v9 =	vmin.bf16 v9, v11;
	v10 =	vmin.bf16 v17, v5;
	v5 =	vmax.bf16 v17, v5  }
0x59: {  	v8 =	vmin.bf16 v4, v16;
	v4 =	vmax.bf16 v4, v16;
	v11 =	vmin.bf16 v9, v20  }
0x5a: {  	s1 =	sshll.u32 s24, $0x4;
	v9 =	vmax.bf16 v9, v20;
	v16 =	vmin.bf16 v6, v7;
	v6 =	vmax.bf16 v6, v7  }
0x5b: {  	s14 =	sor.u32 s1, s14;
	v17 =	vmin.bf16 v22, v8;
	v8 =	vmax.bf16 v22, v8;
	v19 =	vmin.bf16 v10, v4  }
0x5c: {  	s13 =	sor.u32 s1, s13;
	v28 =	vld [tilespmem:s14+$0x0];
	v4 =	vmax.bf16 v10, v4;
	v10 =	vmin.bf16 v5, v15;
	v5 =	vmax.bf16 v5, v15  }
0x5d: {  	s19 =	sor.u32 s1, s19;
	v32 =	vld [tilespmem:s13+$0x0];
	v22 =	vmin.bf16 v18, v11;
	v11 =	vmax.bf16 v18, v11;
	v18 =	vmin.bf16 v16, v9  }
0x5e: {  	s30 =	sor.u32 s1, s29;
	v24 =	vld [tilespmem:s19+$0x0];
	v9 =	vmax.bf16 v16, v9;
	v16 =	vmin.bf16 v6, v23;
	v6 =	vmax.bf16 v6, v23  }
0x5f: {  	s28 =	sor.u32 s1, s28;
	v7 =	vld [tilespmem:s30+$0x0];
	v25 =	vmin.bf16 v17, v6;
	v26 =	vmin.bf16 v8, v16;
	v27 =	vmin.bf16 v19, v9  }
0x60: {  	s31 =	sor.u32 s1, s26;
	v20 =	vld [tilespmem:s28+$0x0];
	v29 =	vmin.bf16 v4, v18;
	v30 =	vmin.bf16 v10, v11;
	v31 =	vmin.bf16 v5, v22  }
0x61: {  	s7 =	sor.u32 s1, s18;
	v15 =	vld [tilespmem:s31+$0x0];
	v6 =	vmax.bf16 v17, v6;
	v8 =	vmax.bf16 v8, v16;
	v9 =	vmax.bf16 v19, v9  }
0x62: {  	s12 =	sor.u32 s1, s12;
	v23 =	vld [tilespmem:s7+$0x0];
	v4 =	vmax.bf16 v4, v18;
	v10 =	vmax.bf16 v10, v11;
	v5 =	vmax.bf16 v5, v22  }
0x63: {  	s15 =	sor.u32 s1, s11;
	v16 =	vld [tilespmem:s12+$0x0];
	v12 =	vmax.bf16 v12, v25;
	v17 =	vmax.bf16 v26, v27;
	v18 =	vmax.bf16 v29, v30  }
0x64: {  	s9 =	sor.u32 s1, s9;
	s18 =	simm.s32 $0x0;
	v11 =	vld [tilespmem:s15+$0x0];
	v21 =	vmax.bf16 v31, v21;
	v6 =	vmin.bf16 v13, v6;
	v8 =	vmin.bf16 v8, v9  }
0x65: {  	s8 =	sor.u32 s1, s8;
	s26 =	sshll.u32 s25, $0x5;
	s19 =	sand.u32 $0xFFFFFF00, s18;
	v19 =	vld [tilespmem:s9+$0x0];
	v4 =	vmin.bf16 v4, v10;
	v5 =	vmin.bf16 v5, v14;
	v10 =	vmax.bf16 v12, v17  }
0x66: {  	s2 =	sor.u32 s1, s2;
	s28 =	sor.u32 s19, s26;
	v9 =	vld [tilespmem:s8+$0x0];
	v13 =	vmax.bf16 v18, v21;
	v6 =	vmin.bf16 v6, v8;
	v4 =	vmin.bf16 v4, v5  }
0x67: {  	s6 =	sor.u32 s1, s6;
	v14 =	vld [tilespmem:s2+$0x0];
	v8 =	vmax.bf16 v10, v13;
	v4 =	vmin.bf16 v6, v4;
	v6 =	vor.u32 s28, v0  }
0x68: {  	s4 =	sor.u32 s1, s4;
	v12 =	vld [tilespmem:s6+$0x0];
	v13 =	vmin.bf16 v7, v20;
	v17 =	vmax.bf16 v7, v20;
	v7 =	vor.u32 s28, v3  }
0x69: {  	s3 =	sor.u32 s1, s3;
	v5 =	vld [tilespmem:s4+$0x0];
	v4 =	vadd.bf16 v4, v8;
	v6 =	vand.u32 v2, v6;
	v18 =	vmin.bf16 v15, v24  }
0x6a: {  	s0 =	sor.u32 s1, s0;
	v10 =	vld [tilespmem:s3+$0x0];
	v15 =	vmax.bf16 v15, v24;
	v21 =	vmin.bf16 v23, v28;
	v22 =	vmin.bf16 v32, v16  }
0x6b: {  	v20 =	vld [tilespmem:s0+$0x0];
	v16 =	vmax.bf16 v32, v16;
	v24 =	vmax.bf16 v13, v18;
	v13 =	vmin.bf16 v13, v18  }
0x6c: {  	v8 =	vmul.bf16 v1, v4;
	v4 =	vmax.bf16 v23, v28;
	v23 =	vmin.bf16 v11, v19  }
0x6d: {  	s29 =	sshll.u32 s24, $0x5;
	v11 =	vmax.bf16 v11, v19;
	v26 =	vmax.bf16 v21, v22;
	v19 =	vmin.bf16 v9, v12  }
0x6e: {  	s9 =	sor.u32 s29, s19;
	v9 =	vmax.bf16 v9, v12;
	v27 =	vmin.bf16 v4, v16;
	v4 =	vmax.bf16 v4, v16  }
0x6f: {  	v12 =	vmin.bf16 v5, v10;
	v10 =	vmax.bf16 v5, v10;
	v5 =	vor.u32 s9, v0  }
0x70: {  	v25 =	vmin.bf16 v14, v20;
	v14 =	vmax.bf16 v14, v20;
	v20 =	vmin.bf16 v17, v15  }
0x71: {  	v28 =	vmax.bf16 v23, v19;
	v29 =	vmin.bf16 v11, v9;
	v50 =	vmin.bf16 v27, v26  }
0x72: {  	v26 =	vmax.bf16 v27, v26;
	v15 =	vmax.bf16 v17, v15;
	v17 =	vmin.bf16 v21, v22  }
0x73: {  	v16 =	vmin.bf16 v23, v19;
	v9 =	vmax.bf16 v11, v9;
	v30 =	vmax.bf16 v12, v25  }
0x74: {  	v31 =	vmin.bf16 v20, v24;
	v20 =	vmax.bf16 v20, v24;
	v24 =	vmin.bf16 v10, v14  }
0x75: {  	v27 =	vmin.bf16 v29, v28;
	v28 =	vmax.bf16 v29, v28;
	v12 =	vmin.bf16 v12, v25  }
0x76: {  	v10 =	vmax.bf16 v10, v14;
	v21 =	vmax.bf16 v13, v17;
	v22 =	vmin.bf16 v15, v4  }
0x77: {  	v13 =	vmin.bf16 v13, v17;
	v4 =	vmax.bf16 v15, v4;
	v5 =	vand.u32 v2, v5  }
0x78: {  	v29 =	vmin.bf16 v24, v30;
	v24 =	vmax.bf16 v24, v30;
	v11 =	vmax.bf16 v31, v50  }
0x79: {  	v14 =	vmin.bf16 v20, v26;
	v23 =	vmax.bf16 v16, v12;
	v20 =	vmax.bf16 v20, v26  }
0x7a: {  	v12 =	vmin.bf16 v16, v12;
	v18 =	vmax.bf16 v27, v29;
	v19 =	vmin.bf16 v28, v24  }
0x7b: {  	v25 =	vmin.bf16 v14, v21;
	v14 =	vmax.bf16 v14, v21;
	v21 =	vmin.bf16 v9, v10  }
0x7c: {  	s24 =	simm.s32 $0x2;
	v30 =	vmin.bf16 v22, v11;
	v11 =	vmax.bf16 v22, v11;
	v26 =	vmin.bf16 v27, v29  }
0x7d: {  	s25 =	sand.u32 $0x6, s24;
	s30 =	simm.s32 $0x200;
	v24 =	vmax.bf16 v28, v24;
	v9 =	vmax.bf16 v9, v10;
	v22 =	vmin.bf16 v19, v23  }
0x7e: {  	s4 =	sand.u32 $0x3FFFF800, s30;
	s6 =	sor.u32 $0x1, s25;
	v19 =	vmax.bf16 v19, v23;
	v23 =	vmin.bf16 v21, v18;
	v18 =	vmax.bf16 v21, v18  }
0x7f: {  	s10 =	sshll.u32 s6, $0x4;
	s0 =	sor.u32 $0x480, s4;
	v21 =	vmin.bf16 v31, v50;
	v28 =	vmin.bf16 v11, v20;
	v11 =	vmax.bf16 v11, v20  }
0x80: {  	s29 =	sor.u32 $0x300, s4;
	s8 =	sor.u32 s10, s0;
	v27 =	vmin.bf16 v21, v25;
	v21 =	vmax.bf16 v21, v25;
	v25 =	vmin.bf16 v30, v14  }
0x81: {  	s30 =	sor.u32 $0x380, s4;
	s2 =	sor.u32 s10, s29;
	v34 =	vld [tilespmem:s8+$0x0];
	v29 =	vmin.bf16 v26, v22;
	v22 =	vmax.bf16 v26, v22;
	v26 =	vmin.bf16 v23, v19  }
0x82: {  	s26 =	sor.u32 $0x200, s4;
	s3 =	sor.u32 s10, s30;
	v17 =	vld [tilespmem:s2+$0x0];
	v19 =	vmax.bf16 v23, v19;
	v23 =	vmin.bf16 v18, v24;
	v15 =	vmax.bf16 v18, v24  }
0x83: {  	s28 =	sor.u32 $0x280, s4;
	s31 =	sor.u32 s10, s26;
	v16 =	vld [tilespmem:s3+$0x0];
	v14 =	vmax.bf16 v30, v14;
	v10 =	vmin.bf16 v27, v15;
	v18 =	vmin.bf16 v21, v23  }
0x84: {  	s1 =	sor.u32 s10, s28;
	v20 =	vld [tilespmem:s31+$0x0];
	s31 =	sor.u32 $0x400, s4;
	v31 =	vmin.bf16 v25, v19;
	v51 =	vmin.bf16 v14, v26;
	v33 =	vmin.bf16 v28, v22  }
0x85: {  	s2 =	sor.u32 $0x500, s4;
	v30 =	vld [tilespmem:s1+$0x0];
	s7 =	sor.u32 s10, s31;
	v35 =	vmin.bf16 v11, v29;
	v15 =	vmax.bf16 v27, v15;
	v21 =	vmax.bf16 v21, v23  }
0x86: {  	s14 =	sor.u32 $0x580, s4;
	s11 =	sor.u32 s10, s2;
	v24 =	vld [tilespmem:s7+$0x0];
	v19 =	vmax.bf16 v25, v19;
	v14 =	vmax.bf16 v14, v26;
	v25 =	vmin.bf16 v13, v9  }
0x87: {  	s12 =	sor.u32 $0x600, s4;
	s13 =	sor.u32 s10, s14;
	v23 =	vld [tilespmem:s11+$0x0];
	v22 =	vmax.bf16 v28, v22;
	v11 =	vmax.bf16 v11, v29;
	v27 =	vmin.bf16 v4, v12  }
0x88: {  	s15 =	sor.u32 s10, s12;
	s8 =	sor.u32 $0x680, s4;
	v26 =	vld [tilespmem:s13+$0x0];
	v9 =	vmax.bf16 v13, v9;
	v4 =	vmax.bf16 v4, v12;
	v10 =	vmax.bf16 v25, v10  }
0x89: {  	s18 =	sor.u32 s10, s8;
	s11 =	sor.u32 $0x700, s4;
	v28 =	vld [tilespmem:s15+$0x0];
	v13 =	vmax.bf16 v18, v31;
	v18 =	vmax.bf16 v51, v33;
	v25 =	vmax.bf16 v35, v27  }
0x8a: {  	s13 =	sor.u32 $0x780, s4;
	v12 =	vld [tilespmem:s18+$0x0];
	s19 =	sor.u32 s10, s11;
	v9 =	vmin.bf16 v9, v15;
	v15 =	vmin.bf16 v21, v19;
	v14 =	vmin.bf16 v14, v22  }
0x8b: {  	s18 =	sadd.s32 $0x800, s4;
	s3 =	sor.u32 s10, s13;
	v4 =	vmin.bf16 v11, v4;
	v21 =	vunpack.i.l.bf16.f32 v8;
	v27 =	vld [tilespmem:s19+$0x0];
	v10 =	vmax.bf16 v10, v13  }
0x8c: {  	s7 =	sor.u32 s10, s18;
	s19 =	sadd.s32 $0x880, s4;
	v19 =	vld [tilespmem:s3+$0x0];
	v11 =	vmax.bf16 v18, v25;
	v9 =	vmin.bf16 v9, v15;
	v14 =	vmin.bf16 v14, v4  }
0x8d: {  	v8 =	vunpack.i.u.bf16.f32 v8;
	s3 =	sadd.s32 $0x900, s4;
	v13 =	vld [tilespmem:s7+$0x0];
	s15 =	sor.u32 s10, s19;
	v10 =	vmax.bf16 v10, v11;
	v9 =	vmin.bf16 v9, v14  }
0x8e: {  	s4 =	sadd.s32 $0x980, s4;
	v4 =	vor.u32 s9, v3;
	s7 =	sor.u32 s10, s3;
	v18 =	vld [tilespmem:s15+$0x0];
	v9 =	vadd.bf16 v9, v10;
	v11 =	vmin.bf16 v20, v30  }
0x8f: {  	s9 =	sor.u32 s10, s4;
	v15 =	vld [tilespmem:s7+$0x0];
	v14 =	vmax.bf16 v20, v30;
	v20 =	vmin.bf16 v17, v16;
	v16 =	vmax.bf16 v17, v16  }
0x90: {  	v10 =	vld [tilespmem:s9+$0x0];
	v17 =	vmin.bf16 v24, v34;
	v22 =	vmax.bf16 v24, v34;
	v24 =	vmin.bf16 v23, v26  }
0x91: {  	v23 =	vmax.bf16 v23, v26;
	v25 =	vmin.bf16 v28, v12;
	v12 =	vmax.bf16 v28, v12  }
0x92: {  	v29 =	vmin.bf16 v17, v24;
	v30 =	vmax.bf16 v22, v23;
	v26 =	vmin.bf16 v27, v19  }
0x93: {  	v17 =	vmax.bf16 v17, v24;
	v19 =	vmax.bf16 v27, v19;
	v31 =	vmin.bf16 v25, v26  }
0x94: {  	v52 =	vmax.bf16 v12, v19;
	v12 =	vmin.bf16 v12, v19;
	v27 =	vmin.bf16 v13, v18  }
0x95: {  	v13 =	vmax.bf16 v13, v18;
	v18 =	vmin.bf16 v11, v20;
	v28 =	vmin.bf16 v15, v10  }
0x96: {  	v10 =	vmax.bf16 v15, v10;
	v15 =	vmax.bf16 v14, v16;
	v11 =	vmax.bf16 v11, v20  }
0x97: {  	v14 =	vmin.bf16 v14, v16;
	v20 =	vmin.bf16 v22, v23;
	v22 =	vmax.bf16 v25, v26  }
0x98: {  	v53 =	vmin.bf16 v27, v28;
	v16 =	vmax.bf16 v13, v10;
	v19 =	vmax.bf16 v27, v28  }
0x99: {  	v10 =	vmin.bf16 v13, v10;
	v13 =	vmin.bf16 v18, v29;
	v23 =	vmax.bf16 v15, v30  }
0x9a: {  	v18 =	vmax.bf16 v18, v29;
	v15 =	vmin.bf16 v15, v30;
	v26 =	vmin.bf16 v14, v11  }
0x9b: {  	v11 =	vmax.bf16 v14, v11;
	v14 =	vmin.bf16 v20, v17;
	v17 =	vmax.bf16 v20, v17  }
0x9c: {  	v20 =	vmin.bf16 v12, v22;
	v12 =	vmax.bf16 v12, v22;
	v24 =	vmin.bf16 v31, v53  }
0x9d: {  	v25 =	vmax.bf16 v52, v16;
	v27 =	vmax.bf16 v31, v53;
	v16 =	vmin.bf16 v52, v16  }
0x9e: {  	v22 =	vmin.bf16 v10, v19;
	v10 =	vmax.bf16 v10, v19;
	v29 =	vmin.bf16 v26, v14  }
0x9f: {  	s10 =	simm.s32 $0x40;
	v14 =	vmax.bf16 v26, v14;
	v19 =	vmin.bf16 v13, v25;
	v28 =	vmin.bf16 v23, v24  }
0xa0: {  	s9 =	sand.u32 $0xFFFFFF00, s10;
	s15 =	sshll.u32 s6, $0x5;
	v13 =	vmax.bf16 v13, v25;
	v23 =	vmax.bf16 v23, v24;
	v24 =	vmax.bf16 v11, v17  }
0xa1: {  	s1 =	sor.u32 s9, s15;
	v25 =	vmin.bf16 v20, v22;
	v30 =	vmax.bf16 v12, v10;
	v11 =	vmin.bf16 v11, v17  }
0xa2: {  	[tilespmem:v6+s16+$0x0] =	vst.idx.msk $0xffff, v21;
	v17 =	vmax.bf16 v20, v22;
	v6 =	vmin.bf16 v12, v10;
	v10 =	vor.u32 s1, v0  }
0xa3: {  	v12 =	vor.u32 s1, v3;
	v20 =	vmin.bf16 v11, v18;
	v11 =	vmax.bf16 v11, v18  }
0xa4: {  	s1 =	sshll.u32 s25, $0x4;
	v18 =	vmin.bf16 v15, v14;
	v14 =	vmax.bf16 v15, v14;
	v15 =	vmin.bf16 v6, v27  }
0xa5: {  	s26 =	sor.u32 s1, s26;
	v6 =	vmax.bf16 v6, v27;
	v21 =	vmin.bf16 v16, v17;
	v16 =	vmax.bf16 v16, v17  }
0xa6: {  	s28 =	sor.u32 s1, s28;
	v17 =	vld [tilespmem:s26+$0x0];
	v22 =	vmin.bf16 v29, v20;
	v20 =	vmax.bf16 v29, v20;
	v26 =	vmin.bf16 v18, v11  }
0xa7: {  	s29 =	sor.u32 s1, s29;
	v27 =	vld [tilespmem:s28+$0x0];
	v11 =	vmax.bf16 v18, v11;
	v18 =	vmin.bf16 v14, v24;
	v14 =	vmax.bf16 v14, v24  }
0xa8: {  	s30 =	sor.u32 s1, s30;
	v24 =	vld [tilespmem:s29+$0x0];
	v29 =	vmin.bf16 v25, v15;
	v15 =	vmax.bf16 v25, v15;
	v25 =	vmin.bf16 v21, v6  }
0xa9: {  	s31 =	sor.u32 s1, s31;
	v31 =	vld [tilespmem:s30+$0x0];
	v6 =	vmax.bf16 v21, v6;
	v21 =	vmin.bf16 v16, v30;
	v16 =	vmax.bf16 v16, v30  }
0xaa: {  	s0 =	sor.u32 s1, s0;
	v30 =	vld [tilespmem:s31+$0x0];
	v54 =	vmin.bf16 v22, v16;
	v55 =	vmin.bf16 v20, v21;
	v56 =	vmin.bf16 v26, v6  }
0xab: {  	s7 =	sor.u32 s1, s2;
	v57 =	vld [tilespmem:s0+$0x0];
	v36 =	vmin.bf16 v11, v25;
	v37 =	vmin.bf16 v18, v15;
	v38 =	vmin.bf16 v14, v29  }
0xac: {  	s10 =	sor.u32 s1, s14;
	v39 =	vld [tilespmem:s7+$0x0];
	v16 =	vmax.bf16 v22, v16;
	v20 =	vmax.bf16 v20, v21;
	v6 =	vmax.bf16 v26, v6  }
0xad: {  	s12 =	sor.u32 s1, s12;
	v21 =	vld [tilespmem:s10+$0x0];
	v11 =	vmax.bf16 v11, v25;
	v15 =	vmax.bf16 v18, v15;
	v14 =	vmax.bf16 v14, v29  }
0xae: {  	s14 =	sor.u32 s1, s8;
	v18 =	vld [tilespmem:s12+$0x0];
	v19 =	vmax.bf16 v19, v54;
	v22 =	vmax.bf16 v55, v56;
	v25 =	vmax.bf16 v36, v37  }
0xaf: {  	s15 =	sor.u32 s1, s11;
	v26 =	vld [tilespmem:s14+$0x0];
	v28 =	vmax.bf16 v38, v28;
	v13 =	vmin.bf16 v13, v16;
	v6 =	vmin.bf16 v20, v6  }
0xb0: {  	s26 =	sor.u32 s1, s13;
	v16 =	vld [tilespmem:s15+$0x0];
	v11 =	vmin.bf16 v11, v15;
	v14 =	vmin.bf16 v14, v23;
	v15 =	vmax.bf16 v19, v22  }
0xb1: {  	s28 =	sor.u32 s1, s18;
	v19 =	vld [tilespmem:s26+$0x0];
	v20 =	vmax.bf16 v25, v28;
	v6 =	vmin.bf16 v13, v6;
	v11 =	vmin.bf16 v11, v14  }
0xb2: {  	[tilespmem:v7+s16+$0x0] =	vst.idx.msk $0xffff, v8;
	s29 =	sor.u32 s1, s19;
	v13 =	vld [tilespmem:s28+$0x0];
	v14 =	vmax.bf16 v15, v20;
	v11 =	vmin.bf16 v6, v11  }
0xb3: {  	v10 =	vand.u32 v2, v10;
	s30 =	sor.u32 s1, s3;
	v15 =	vld [tilespmem:s29+$0x0];
	v6 =	vmul.bf16 v1, v9;
	v9 =	vadd.bf16 v11, v14  }
0xb4: {  	s1 =	sor.u32 s1, s4;
	v11 =	vld [tilespmem:s30+$0x0];
	v14 =	vmin.bf16 v17, v27;
	v25 =	vmax.bf16 v17, v27;
	v27 =	vmin.bf16 v24, v31  }
0xb5: {  	v17 =	vld [tilespmem:s1+$0x0];
	v24 =	vmax.bf16 v24, v31;
	v28 =	vmin.bf16 v30, v57;
	v29 =	vmax.bf16 v30, v57  }
0xb6: {  	v30 =	vmin.bf16 v39, v21;
	v31 =	vmax.bf16 v39, v21;
	v9 =	vmul.bf16 v1, v9  }
0xb7: {  	v8 =	vmin.bf16 v18, v26;
	v26 =	vmax.bf16 v18, v26;
	v58 =	vmin.bf16 v16, v19  }
0xb8: {  	v59 =	vmax.bf16 v16, v19;
	v7 =	vunpack.i.l.bf16.f32 v9;
	v60 =	vmin.bf16 v13, v15  }
0xb9: {  	v15 =	vmax.bf16 v13, v15;
	v13 =	vmax.bf16 v8, v58;
	v18 =	vmin.bf16 v26, v59  }
0xba: {  	v9 =	vunpack.i.u.bf16.f32 v9;
	v8 =	vmin.bf16 v8, v58;
	[tilespmem:v10+s16+$0x0] =	vst.idx.msk $0xffff, v7;
	v61 =	vmin.bf16 v11, v17  }
0xbb: {  	s31 =	sshll.u32 s25, $0x5;
	v62 =	vmax.bf16 v11, v17;
	v10 =	vmin.bf16 v25, v24;
	v11 =	vmax.bf16 v28, v30  }
0xbc: {  	s25 =	sor.u32 s31, s9;
	v22 =	vmin.bf16 v18, v13;
	v18 =	vmax.bf16 v18, v13;
	v13 =	vmax.bf16 v29, v31  }
0xbd: {  	v7 =	vor.u32 s25, v0;
	[tilespmem:v12+s16+$0x0] =	vst.idx.msk $0xffff, v9;
	v9 =	vmax.bf16 v14, v27;
	v12 =	vmin.bf16 v29, v31  }
0xbe: {  	v19 =	vmax.bf16 v60, v61;
	v16 =	vmin.bf16 v10, v9;
	v17 =	vmax.bf16 v10, v9  }
0xbf: {  	v9 =	vmin.bf16 v15, v62;
	v20 =	vmin.bf16 v12, v11;
	v21 =	vmax.bf16 v12, v11  }
0xc0: {  	v10 =	vmin.bf16 v14, v27;
	v11 =	vmax.bf16 v25, v24;
	v12 =	vmin.bf16 v28, v30  }
0xc1: {  	v14 =	vmin.bf16 v60, v61;
	v15 =	vmax.bf16 v15, v62;
	v23 =	vmin.bf16 v9, v19  }
0xc2: {  	v19 =	vmax.bf16 v9, v19;
	v9 =	vmax.bf16 v26, v59;
	v24 =	vmax.bf16 v16, v20  }
0xc3: {  	v25 =	vmin.bf16 v17, v21;
	v26 =	vmax.bf16 v10, v12;
	v63 =	vmin.bf16 v11, v13  }
0xc4: {  	v31 =	vmax.bf16 v8, v14;
	v29 =	vmax.bf16 v22, v23;
	v30 =	vmin.bf16 v18, v19  }
0xc5: {  	v28 =	vmin.bf16 v25, v26;
	v26 =	vmax.bf16 v25, v26;
	v32 =	vmin.bf16 v9, v15  }
0xc6: {  	v27 =	vmin.bf16 v63, v24;
	v25 =	vmax.bf16 v63, v24;
	v24 =	vmin.bf16 v30, v31  }
.LBB2_3:
0xc7: {  	s24 =	sadd.s32 $0x2, s24;
	v30 =	vmax.bf16 v30, v31;
	v31 =	vmin.bf16 v32, v29;
	v29 =	vmax.bf16 v32, v29  }
0xc8: {  	v16 =	vmin.bf16 v16, v20;
	v17 =	vmax.bf16 v17, v21;
	v20 =	vmin.bf16 v22, v23;
	s1 =	sand.u32 $0x6, s24;
	s2 =	sshll.u32 s24, $0x8;
	p4 =	slt.u32 s24, $0x7E  }
0xc9: {  	v18 =	vmax.bf16 v18, v19;
	v21 =	vmin.bf16 v16, v28;
	v16 =	vmax.bf16 v16, v28;
	s0 =	sshll.u32 s1, $0x4;
	s8 =	sand.u32 $0x3FFFF800, s2;
	s26 =	sor.u32 $0x1, s1  }
0xca: {  	v19 =	vmin.bf16 v27, v26;
	v22 =	vmax.bf16 v27, v26;
	v23 =	vmin.bf16 v25, v17;
	s28 =	sshll.u32 s1, $0x5;
	s3 =	sor.u32 $0x200, s8;
	s6 =	sshll.u32 s26, $0x4  }
0xcb: {  	v17 =	vmax.bf16 v25, v17;
	v25 =	vmin.bf16 v20, v24;
	v20 =	vmax.bf16 v20, v24;
	s1 =	sor.u32 $0x280, s8;
	s2 =	sor.u32 s0, s3;
	s4 =	sor.u32 s6, s3  }
0xcc: {  	v26 =	vmin.bf16 v31, v30;
	v27 =	vmax.bf16 v31, v30;
	v28 =	vmin.bf16 v29, v18;
	s9 =	sor.u32 $0x300, s8;
	s3 =	sor.u32 s0, s1;
	s1 =	sor.u32 s6, s1;
	v24 =	vld [tilespmem:s4+$0x0]  }
0xcd: {  	v10 =	vmin.bf16 v10, v12;
	v11 =	vmax.bf16 v11, v13;
	v12 =	vmax.bf16 v29, v18;
	s10 =	sor.u32 $0x380, s8;
	s4 =	sor.u32 s0, s9;
	v30 =	vld [tilespmem:s1+$0x0];
	s1 =	sor.u32 s6, s9  }
0xce: {  	v8 =	vmin.bf16 v8, v14;
	v9 =	vmax.bf16 v9, v15;
	v14 =	vmin.bf16 v21, v12;
	s12 =	sor.u32 $0x400, s8;
	s9 =	sor.u32 s0, s10;
	v13 =	vld [tilespmem:s1+$0x0];
	s1 =	sor.u32 s6, s10  }
0xcf: {  	v18 =	vmin.bf16 v16, v28;
	v29 =	vmin.bf16 v19, v27;
	v31 =	vmin.bf16 v22, v26;
	s11 =	sor.u32 s0, s12;
	s10 =	sor.u32 $0x480, s8;
	v15 =	vld [tilespmem:s1+$0x0];
	s1 =	sor.u32 s6, s12  }
0xd0: {  	v33 =	vmin.bf16 v23, v20;
	v34 =	vmin.bf16 v17, v25;
	v12 =	vmax.bf16 v21, v12;
	s14 =	sor.u32 $0x500, s8;
	s12 =	sor.u32 s0, s10;
	v32 =	vld [tilespmem:s1+$0x0];
	s1 =	sor.u32 s6, s10  }
0xd1: {  	v16 =	vmax.bf16 v16, v28;
	v19 =	vmax.bf16 v19, v27;
	v22 =	vmax.bf16 v22, v26;
	s13 =	sor.u32 s0, s14;
	s10 =	sor.u32 $0x580, s8;
	v21 =	vld [tilespmem:s1+$0x0];
	s1 =	sor.u32 s6, s14  }
0xd2: {  	v27 =	vmin.bf16 v10, v9;
	v20 =	vmax.bf16 v23, v20;
	v17 =	vmax.bf16 v17, v25;
	s19 =	sor.u32 $0x600, s8;
	s14 =	sor.u32 s0, s10;
	v26 =	vld [tilespmem:s1+$0x0];
	s1 =	sor.u32 s6, s10  }
0xd3: {  	v25 =	vmin.bf16 v11, v8;
	v9 =	vmax.bf16 v10, v9;
	v8 =	vmax.bf16 v11, v8;
	s18 =	sor.u32 s0, s19;
	s10 =	sor.u32 $0x680, s8;
	v23 =	vld [tilespmem:s1+$0x0];
	s1 =	sor.u32 s6, s19  }
0xd4: {  	s30 =	sor.u32 $0x700, s8;
	v10 =	vmax.bf16 v27, v14;
	v11 =	vmax.bf16 v18, v29;
	v14 =	vmax.bf16 v31, v33;
	s19 =	sor.u32 s0, s10;
	v28 =	vld [tilespmem:s1+$0x0];
	s1 =	sor.u32 s6, s10  }
0xd5: {  	v25 =	vmax.bf16 v34, v25;
	v9 =	vmin.bf16 v9, v12;
	v12 =	vmin.bf16 v16, v19;
	s29 =	sor.u32 s0, s30;
	s10 =	sor.u32 $0x780, s8;
	v18 =	vld [tilespmem:s1+$0x0];
	s1 =	sor.u32 s6, s30  }
0xd6: {  	s7 =	sadd.s32 $0x800, s8;
	v19 =	vmin.bf16 v22, v20;
	v8 =	vmin.bf16 v17, v8;
	v10 =	vmax.bf16 v10, v11;
	s30 =	sor.u32 s0, s10;
	v16 =	vld [tilespmem:s1+$0x0];
	s1 =	sor.u32 s6, s10  }
0xd7: {  	s15 =	sadd.s32 $0x880, s8;
	s31 =	sor.u32 s0, s7;
	v11 =	vmax.bf16 v14, v25;
	v9 =	vmin.bf16 v9, v12;
	v8 =	vmin.bf16 v19, v8;
	v17 =	vld [tilespmem:s1+$0x0];
	s1 =	sor.u32 s6, s7  }
0xd8: {  	v10 =	vmax.bf16 v10, v11;
	v9 =	vmin.bf16 v9, v8;
	v8 =	vunpack.i.u.bf16.f32 v6;
	s10 =	sor.u32 s0, s15;
	s15 =	sor.u32 s6, s15;
	s7 =	sadd.s32 $0x900, s8;
	v14 =	vld [tilespmem:s1+$0x0]  }
0xd9: {  	v6 =	vunpack.i.l.bf16.f32 v6;
	v9 =	vadd.bf16 v9, v10;
	v10 =	vand.u32 v2, v7;
	s8 =	sadd.s32 $0x980, s8;
	s1 =	sor.u32 s0, s7;
	s7 =	sor.u32 s6, s7;
	v19 =	vld [tilespmem:s15+$0x0]  }
0xda: {  	v7 =	vor.u32 s25, v3;
	s0 =	sor.u32 s0, s8;
	s6 =	sor.u32 s6, s8;
	v20 =	vld [tilespmem:s7+$0x0];
	[tilespmem:v5+s16+$0x0] =	vst.idx.msk $0xffff, v6;
	v5 =	vmov v10  }
0xdb: {  	v25 =	vmin.bf16 v24, v30;
	v24 =	vmax.bf16 v24, v30;
	v6 =	vmul.bf16 v1, v9;
	v22 =	vld [tilespmem:s6+$0x0]  }
0xdc: {  	v27 =	vmin.bf16 v13, v15;
	v29 =	vmax.bf16 v13, v15;
	v30 =	vmin.bf16 v32, v21;
	v9 =	vld [tilespmem:s2+$0x0]  }
0xdd: {  	v21 =	vmax.bf16 v32, v21;
	v31 =	vmin.bf16 v26, v23;
	v23 =	vmax.bf16 v26, v23;
	v10 =	vld [tilespmem:s3+$0x0]  }
0xde: {  	v26 =	vmin.bf16 v28, v18;
	v28 =	vmax.bf16 v28, v18;
	v18 =	vmin.bf16 v16, v17;
	v11 =	vld [tilespmem:s4+$0x0]  }
0xdf: {  	v32 =	vmax.bf16 v16, v17;
	v33 =	vmin.bf16 v14, v19;
	v19 =	vmax.bf16 v14, v19;
	v12 =	vld [tilespmem:s9+$0x0]  }
0xe0: {  	v34 =	vmin.bf16 v25, v27;
	v13 =	vld [tilespmem:s11+$0x0];
	v35 =	vmin.bf16 v20, v22;
	v20 =	vmax.bf16 v20, v22  }
0xe1: {  	v36 =	vmin.bf16 v30, v31;
	v37 =	vmax.bf16 v21, v23;
	v22 =	vmax.bf16 v24, v29;
	v14 =	vld [tilespmem:s12+$0x0]  }
0xe2: {  	v38 =	vmin.bf16 v26, v18;
	v39 =	vmax.bf16 v28, v32;
	v40 =	vmin.bf16 v33, v35;
	v15 =	vld [tilespmem:s13+$0x0]  }
0xe3: {  	v25 =	vmax.bf16 v25, v27;
	v24 =	vmin.bf16 v24, v29;
	v27 =	vmax.bf16 v19, v20;
	v16 =	vld [tilespmem:s14+$0x0]  }
0xe4: {  	v23 =	vmin.bf16 v21, v23;
	v26 =	vmax.bf16 v26, v18;
	v29 =	vmax.bf16 v30, v31;
	v17 =	vld [tilespmem:s18+$0x0]  }
0xe5: {  	v28 =	vmin.bf16 v28, v32;
	v30 =	vmax.bf16 v33, v35;
	v31 =	vmin.bf16 v19, v20;
	v18 =	vld [tilespmem:s19+$0x0]  }
0xe6: {  	v32 =	vmin.bf16 v34, v36;
	v33 =	vmax.bf16 v22, v37;
	v35 =	vmin.bf16 v38, v40;
	v19 =	vld [tilespmem:s29+$0x0]  }
0xe7: {  	v34 =	vmax.bf16 v34, v36;
	v22 =	vmin.bf16 v22, v37;
	v36 =	vmax.bf16 v39, v27;
	v20 =	vld [tilespmem:s30+$0x0]  }
0xe8: {  	v37 =	vmin.bf16 v24, v25;
	v38 =	vmax.bf16 v38, v40;
	v27 =	vmin.bf16 v39, v27;
	v21 =	vld [tilespmem:s31+$0x0]  }
0xe9: {  	v24 =	vmax.bf16 v24, v25;
	v25 =	vmin.bf16 v23, v29;
	v23 =	vmax.bf16 v23, v29;
	v39 =	vld [tilespmem:s10+$0x0]  }
0xea: {  	v40 =	vmin.bf16 v28, v26;
	v26 =	vmax.bf16 v28, v26;
	v28 =	vmin.bf16 v31, v30;
	v29 =	vld [tilespmem:s1+$0x0]  }
0xeb: {  	v30 =	vmax.bf16 v31, v30;
	v31 =	vmin.bf16 v32, v36;
	v42 =	vmin.bf16 v33, v35;
	v41 =	vld [tilespmem:s0+$0x0]  }
0xec: {  	v43 =	vmin.bf16 v37, v25;
	v32 =	vmax.bf16 v32, v36;
	v33 =	vmax.bf16 v33, v35  }
0xed: {  	v35 =	vmax.bf16 v24, v23;
	v36 =	vmin.bf16 v40, v28;
	v44 =	vmax.bf16 v26, v30  }
0xee: {  	v25 =	vmax.bf16 v37, v25;
	v23 =	vmin.bf16 v24, v23;
	v24 =	vmax.bf16 v40, v28  }
0xef: {  	v26 =	vmin.bf16 v26, v30;
	v28 =	vmin.bf16 v23, v34;
	v23 =	vmax.bf16 v23, v34  }
0xf0: {  	v30 =	vmin.bf16 v22, v25;
	v22 =	vmax.bf16 v22, v25;
	v25 =	vmin.bf16 v26, v38  }
0xf1: {  	v26 =	vmax.bf16 v26, v38;
	v34 =	vmin.bf16 v27, v24;
	v24 =	vmax.bf16 v27, v24  }
0xf2: {  	v27 =	vmin.bf16 v43, v28;
	v28 =	vmax.bf16 v43, v28;
	v37 =	vmin.bf16 v30, v23  }
0xf3: {  	v23 =	vmax.bf16 v30, v23;
	v30 =	vmin.bf16 v22, v35;
	v22 =	vmax.bf16 v22, v35  }
0xf4: {  	v35 =	vmin.bf16 v36, v25;
	v25 =	vmax.bf16 v36, v25;
	v36 =	vmin.bf16 v34, v26  }
0xf5: {  	v26 =	vmax.bf16 v34, v26;
	v34 =	vmin.bf16 v24, v44;
	v24 =	vmax.bf16 v24, v44  }
0xf6: {  	v38 =	vmin.bf16 v27, v24;
	v40 =	vmin.bf16 v28, v34;
	v43 =	vmin.bf16 v37, v26  }
0xf7: {  	v44 =	vmin.bf16 v23, v36;
	v45 =	vmin.bf16 v30, v25;
	v46 =	vmin.bf16 v22, v35  }
0xf8: {  	v24 =	vmax.bf16 v27, v24;
	v27 =	vmax.bf16 v28, v34;
	v26 =	vmax.bf16 v37, v26  }
0xf9: {  	v23 =	vmax.bf16 v23, v36;
	v25 =	vmax.bf16 v30, v25;
	v22 =	vmax.bf16 v22, v35  }
0xfa: {  	v28 =	vmax.bf16 v31, v38;
	v30 =	vmax.bf16 v40, v43;
	v31 =	vmax.bf16 v44, v45  }
0xfb: {  	v34 =	vmax.bf16 v46, v42;
	v24 =	vmin.bf16 v32, v24;
	v26 =	vmin.bf16 v27, v26;
	s0 =	sshll.u32 s24, $0x5  }
0xfc: {  	v23 =	vmin.bf16 v23, v25;
	v22 =	vmin.bf16 v22, v33;
	v25 =	vmax.bf16 v28, v30;
	s1 =	sshll.u32 s26, $0x5;
	s0 =	sand.u32 $0xFFFFFF00, s0  }
0xfd: {  	v27 =	vmax.bf16 v31, v34;
	v24 =	vmin.bf16 v24, v26;
	v22 =	vmin.bf16 v23, v22;
	s25 =	sor.u32 s28, s0;
	s0 =	sor.u32 s0, s1  }
0xfe: {  	v23 =	vmax.bf16 v25, v27;
	v22 =	vmin.bf16 v24, v22;
	v24 =	vor.u32 s0, v0;
	[tilespmem:v4+s16+$0x0] =	vst.idx.msk $0xffff, v8  }
0xff: {  	v22 =	vadd.bf16 v22, v23;
	v23 =	vand.u32 v2, v24;
	v8 =	vmin.bf16 v9, v10;
	v4 =	vmovc v7  }
0x100: {  	v24 =	vor.u32 s0, v3;
	v9 =	vmax.bf16 v9, v10;
	v10 =	vmin.bf16 v11, v12  }
0x101: {  	v11 =	vmax.bf16 v11, v12;
	v12 =	vmin.bf16 v13, v14;
	v7 =	vmul.bf16 v1, v22  }
0x102: {  	v13 =	vmax.bf16 v13, v14;
	v14 =	vmin.bf16 v15, v16;
	v15 =	vmax.bf16 v15, v16  }
0x103: {  	v25 =	vmin.bf16 v17, v18;
	v26 =	vmax.bf16 v17, v18;
	v16 =	vunpack.i.l.bf16.f32 v7  }
0x104: {  	v27 =	vmin.bf16 v19, v20;
	v28 =	vmax.bf16 v19, v20;
	v17 =	vunpack.i.u.bf16.f32 v7;
	[tilespmem:v23+s16+$0x0] =	vst.idx.msk $0xffff, v16  }
0x105: {  	v30 =	vmin.bf16 v21, v39;
	v31 =	vmax.bf16 v21, v39;
	v7 =	vor.u32 s25, v0;
	[tilespmem:v24+s16+$0x0] =	vst.idx.msk $0xffff, v17  }
0x106: {  	v17 =	vmax.bf16 v8, v10;
	v24 =	vmin.bf16 v29, v41;
	v29 =	vmax.bf16 v29, v41  }
0x107: {  	v18 =	vmin.bf16 v9, v11;
	v19 =	vmax.bf16 v12, v14;
	v21 =	vmin.bf16 v13, v15  }
0x108: {  	v32 =	vmin.bf16 v26, v28;
	v23 =	vmax.bf16 v25, v27;
	v33 =	vmax.bf16 v30, v24  }
0x109: {  	v16 =	vmin.bf16 v18, v17;
	v17 =	vmax.bf16 v18, v17;
	v34 =	vmin.bf16 v31, v29  }
0x10a: {  	v20 =	vmin.bf16 v21, v19;
	v21 =	vmax.bf16 v21, v19;
	v22 =	vmin.bf16 v32, v23  }
0x10b: {  	v18 =	vmax.bf16 v32, v23;
	v23 =	vmin.bf16 v34, v33;
	v19 =	vmax.bf16 v34, v33  }
0x10c: {  	v11 =	vmax.bf16 v9, v11;
	v12 =	vmin.bf16 v12, v14;
	v10 =	vmin.bf16 v8, v10  }
0x10d: {  	v13 =	vmax.bf16 v13, v15;
	v9 =	vmax.bf16 v26, v28;
	v8 =	vmin.bf16 v25, v27  }
.Ltmp4:
0x10e: {  	v14 =	vmin.bf16 v30, v24;
	v15 =	vmax.bf16 v31, v29;
	v25 =	vmax.bf16 v16, v20;
	(pc) =	sbr.rel @p4 .LBB2_3-.Ltmp4, $4  }
0x10f: {  	v24 =	vmin.bf16 v17, v21;
	v29 =	vmax.bf16 v22, v23;
	v30 =	vmin.bf16 v18, v19  }
0x110: {  	v26 =	vmax.bf16 v10, v12;
	v33 =	vmin.bf16 v11, v13;
	v31 =	vmax.bf16 v8, v14  }
0x111: {  	v32 =	vmin.bf16 v9, v15;
	v28 =	vmin.bf16 v24, v26;
	v26 =	vmax.bf16 v24, v26  }
0x112: {  	v27 =	vmin.bf16 v33, v25;
	v25 =	vmax.bf16 v33, v25;
	v24 =	vmin.bf16 v30, v31  }
0x113: {  	v30 =	vmax.bf16 v30, v31;
	v33 =	vmin.bf16 v32, v29;
	v34 =	vmax.bf16 v32, v29  }
0x114: {  	v16 =	vmin.bf16 v16, v20;
	v17 =	vmax.bf16 v17, v21;
	v35 =	vmin.bf16 v22, v23  }
0x115: {  	v18 =	vmax.bf16 v18, v19;
	v37 =	vmin.bf16 v27, v26;
	v38 =	vmax.bf16 v27, v26  }
0x116: {  	v10 =	vmin.bf16 v10, v12;
	v11 =	vmax.bf16 v11, v13;
	v8 =	vmin.bf16 v8, v14  }
0x117: {  	v9 =	vmax.bf16 v9, v15;
	v36 =	vmin.bf16 v16, v28;
	v16 =	vmax.bf16 v16, v28  }
0x118: {  	v39 =	vmin.bf16 v25, v17;
	v17 =	vmax.bf16 v25, v17;
	v40 =	vmin.bf16 v35, v24  }
0x119: {  	v20 =	vmax.bf16 v35, v24;
	v41 =	vmin.bf16 v33, v30;
	v42 =	vmax.bf16 v33, v30  }
0x11a: {  	v43 =	vmin.bf16 v34, v18;
	v44 =	vmax.bf16 v34, v18;
	v52 =	vmin.bf16 v10, v9  }
0x11b: {  	v53 =	vmin.bf16 v11, v8;
	v9 =	vmax.bf16 v10, v9;
	v8 =	vmax.bf16 v11, v8  }
0x11c: {  	v45 =	vmin.bf16 v36, v44;
	v46 =	vmin.bf16 v16, v43;
	v47 =	vmin.bf16 v37, v42  }
0x11d: {  	v48 =	vmin.bf16 v38, v41;
	v49 =	vmin.bf16 v39, v20;
	v50 =	vmin.bf16 v17, v40  }
0x11e: {  	v12 =	vmax.bf16 v36, v44;
	v16 =	vmax.bf16 v16, v43;
	v19 =	vmax.bf16 v37, v42  }
0x11f: {  	v51 =	vmax.bf16 v38, v41;
	v20 =	vmax.bf16 v39, v20;
	v17 =	vmax.bf16 v17, v40  }
0x120: {  	v54 =	vmax.bf16 v52, v45;
	v55 =	vmax.bf16 v46, v47;
	v56 =	vmax.bf16 v48, v49  }
0x121: {  	v57 =	vmax.bf16 v50, v53;
	v9 =	vmin.bf16 v9, v12;
	v58 =	vmin.bf16 v16, v19  }
0x122: {  	v59 =	vmin.bf16 v51, v20;
	v8 =	vmin.bf16 v17, v8;
	v10 =	vmax.bf16 v54, v55  }
0x123: {  	v60 =	vmax.bf16 v56, v57;
	v9 =	vmin.bf16 v9, v58;
	v8 =	vmin.bf16 v59, v8  }
0x124: {  	v10 =	vmax.bf16 v10, v60;
	v8 =	vmin.bf16 v9, v8  }
0x125: {  	v7 =	vand.u32 v2, v7;
	v8 =	vadd.bf16 v8, v10  }
0x126: {  	v61 =	vor.u32 s25, v3  }
0x127: {  	v62 =	vunpack.i.l.bf16.f32 v6;
	v8 =	vmul.bf16 v1, v8  }
0x128: {  	v63 =	vunpack.i.u.bf16.f32 v6;
	[tilespmem:v5+s16+$0x0] =	vst.idx.msk $0xffff, v62  }
0x129: {  	[tilespmem:v4+s16+$0x0] =	vst.idx.msk $0xffff, v63;
	v4 =	vunpack.i.l.bf16.f32 v8  }
0x12a: {  	v5 =	vunpack.i.u.bf16.f32 v8;
	[tilespmem:v7+s16+$0x0] =	vst.idx.msk $0xffff, v4  }
0x12b: {  	[tilespmem:v61+s16+$0x0] =	vst.idx.msk $0xffff, v5  }
0x12c: {  	s0 =	sshll.u32 s23, $0x9;
	s1 =	rddreg [dreg:$0x5]  }
0x12d: {  	s30 =	simm.s32 $0x0;
	s0 =	sadd.s32 s1, s0  }
0x12e: {  	[hbm4b:s0+s30] =	stream.linear.scatter [tilespmem:s16], [sflag:$0x5], $0x1000, $0x38;
	[tilespmem:$0x12200] =	vst v63  }
0x12f: {  	s0 =	simm.s32 @!p2 $0x4  }
0x130: {  	_ =	swait.ge @!p2 [sflag:s0], $0x8000  }
0x131: {  	s31 =	rddreg [dreg:$0x8]  }
0x132: {  	s1 =	sadd.s32 s31, s22  }
0x133: {  	[sflag:s0] =	ssyncset.done @!p2 $0x0;
	p4 =	sgt.u32 s1, $0x270  }
0x134: {  	[sflag:s0] =	ssyncadd.s32 @!p2 $0xFFFF8000;
	s0 =	sshll.u32 @!p4 s1, $0x5  }
0x135: {  	s1 =	simm.s32 @!p4 $0x0;
	s2 =	simm.s32 @!p4 $0x100;
	s0 =	sadd.s32 @!p4 s5, s0  }
0x136: {  	[tilespmem:s2], [sflag:$0x2] =	stream.linear.gather @!p4 [hbm4b:s0+s1], $0x100, $0x38;
	[tilespmem:$0x12200] =	vst v63  }
0x137: {  	s0 =	simm.s32 @!p1 $0x1  }
0x138: {  	_ =	swait.ge @!p1 [sflag:s0], $0x100  }
0x139: {  	[sflag:s0] =	ssyncset.done @!p1 $0x0  }
0x13a: {  	s1 =	simm.s32 @!p1 $0x0;
	[sflag:s0] =	ssyncadd.s32 @!p1 $0xFFFFFF00  }
0x13b: {  	s2 =	simm.s32 @!p1 $0x200;
	s0 =	simm.s32 @!p1 $0x100;
	s3 =	rddreg [dreg:$0x0]  }
0x13c: {  	[tilespmem:s2], [sflag:$0x3] =	stream.indirect.gather @!p1 [hbm4b:s3+s0], $0x80, s1, s0, $0xb8;
	[tilespmem:$0x12200] =	vst v63  }
.Ltmp5:
0x13d: {  	_ = 	snop;
	(pc) =	sbr.rel @p2 .LBB2_8-.Ltmp5, $4  }
0x13e: {  	s0 =	simm.s32 @!p3 $0x6  }
0x13f: {  	_ =	swait.ge @!p3 [sflag:s0], $0x1000  }
0x140: {  	[sflag:s0] =	ssyncset.done @!p3 $0x0  }
0x141: {  	[sflag:s0] =	ssyncadd.s32 @!p3 $0xFFFFF000  }
0x142: {  	s0 =	simm.s32 $0x0  }
0x143: {  	s2 =	simm.s32 $0x0;
	s23 =	sand.u32 $0x6, s0  }
0x144: {  	s0 =	sand.u32 $0x3FFFF800, s2;
	s22 =	sor.u32 $0x1, s23  }
0x145: {  	s26 =	sadd.s32 $0x8200, s0;
	s1 =	sshll.u32 s22, $0x4  }
0x146: {  	s25 =	sadd.s32 $0x8280, s0;
	s2 =	sor.u32 s1, s26  }
0x147: {  	s24 =	sadd.s32 $0x8300, s0;
	s3 =	sor.u32 s1, s25;
	v4 =	vld [tilespmem:s2+$0x0]  }
0x148: {  	s19 =	sadd.s32 $0x8380, s0;
	s4 =	sor.u32 s1, s24;
	v5 =	vld [tilespmem:s3+$0x0]  }
0x149: {  	s18 =	sadd.s32 $0x8400, s0;
	s6 =	sor.u32 s1, s19;
	v6 =	vld [tilespmem:s4+$0x0]  }
0x14a: {  	s14 =	sadd.s32 $0x8480, s0;
	s7 =	sor.u32 s1, s18;
	v7 =	vld [tilespmem:s6+$0x0]  }
0x14b: {  	s13 =	sadd.s32 $0x8500, s0;
	s8 =	sor.u32 s1, s14;
	v8 =	vld [tilespmem:s7+$0x0]  }
0x14c: {  	s12 =	sadd.s32 $0x8580, s0;
	s9 =	sor.u32 s1, s13;
	v9 =	vld [tilespmem:s8+$0x0]  }
0x14d: {  	s11 =	sadd.s32 $0x8600, s0;
	s10 =	sor.u32 s1, s12;
	v10 =	vld [tilespmem:s9+$0x0]  }
0x14e: {  	s15 =	sor.u32 s1, s11;
	s9 =	sadd.s32 $0x8680, s0;
	v11 =	vld [tilespmem:s10+$0x0]  }
0x14f: {  	s8 =	sadd.s32 $0x8700, s0;
	v12 =	vld [tilespmem:s15+$0x0];
	s28 =	sor.u32 s1, s9  }
0x150: {  	s6 =	sadd.s32 $0x8780, s0;
	s29 =	sor.u32 s1, s8;
	v13 =	vld [tilespmem:s28+$0x0]  }
0x151: {  	s4 =	sadd.s32 $0x8800, s0;
	s30 =	sor.u32 s1, s6;
	v14 =	vld [tilespmem:s29+$0x0]  }
0x152: {  	s3 =	sadd.s32 $0x8880, s0;
	s7 =	sor.u32 s1, s4;
	v15 =	vld [tilespmem:s30+$0x0]  }
0x153: {  	s2 =	sadd.s32 $0x8900, s0;
	s31 =	sor.u32 s1, s3;
	v16 =	vld [tilespmem:s7+$0x0]  }
0x154: {  	s0 =	sadd.s32 $0x8980, s0;
	s10 =	sor.u32 s1, s2;
	v17 =	vld [tilespmem:s31+$0x0];
	v20 =	vmin.bf16 v4, v5;
	v4 =	vmax.bf16 v4, v5  }
0x155: {  	s1 =	sor.u32 s1, s0;
	v18 =	vld [tilespmem:s10+$0x0];
	v5 =	vmin.bf16 v6, v7;
	v6 =	vmax.bf16 v6, v7;
	v7 =	vmin.bf16 v8, v9  }
0x156: {  	v19 =	vld [tilespmem:s1+$0x0];
	v8 =	vmax.bf16 v8, v9;
	v9 =	vmin.bf16 v10, v11;
	v10 =	vmax.bf16 v10, v11  }
0x157: {  	v22 =	vmin.bf16 v7, v9;
	v23 =	vmax.bf16 v8, v10  }
0x158: {  	v7 =	vmax.bf16 v7, v9;
	v8 =	vmin.bf16 v8, v10;
	v11 =	vmin.bf16 v12, v13  }
0x159: {  	v12 =	vmax.bf16 v12, v13;
	v13 =	vmin.bf16 v14, v15;
	v14 =	vmax.bf16 v14, v15  }
0x15a: {  	v15 =	vmin.bf16 v16, v17;
	v16 =	vmax.bf16 v16, v17;
	v17 =	vmin.bf16 v20, v5  }
0x15b: {  	v21 =	vmin.bf16 v18, v19;
	v18 =	vmax.bf16 v18, v19;
	v19 =	vmax.bf16 v4, v6  }
0x15c: {  	v5 =	vmax.bf16 v20, v5;
	v4 =	vmin.bf16 v4, v6;
	v24 =	vmin.bf16 v11, v13  }
0x15d: {  	v25 =	vmax.bf16 v12, v14;
	v26 =	vmin.bf16 v15, v21;
	v6 =	vmax.bf16 v16, v18  }
0x15e: {  	v9 =	vmax.bf16 v11, v13;
	v10 =	vmin.bf16 v12, v14;
	v11 =	vmax.bf16 v15, v21  }
0x15f: {  	v12 =	vmin.bf16 v16, v18;
	v13 =	vmin.bf16 v17, v22;
	v14 =	vmax.bf16 v19, v23  }
0x160: {  	v16 =	vmax.bf16 v17, v22;
	v17 =	vmin.bf16 v19, v23;
	v19 =	vmin.bf16 v4, v5  }
0x161: {  	v4 =	vmax.bf16 v4, v5;
	v5 =	vmin.bf16 v8, v7;
	v7 =	vmax.bf16 v8, v7  }
0x162: {  	v15 =	vmin.bf16 v24, v26;
	v18 =	vmax.bf16 v25, v6;
	v20 =	vmax.bf16 v24, v26  }
0x163: {  	v6 =	vmin.bf16 v25, v6;
	v8 =	vmin.bf16 v10, v9;
	v9 =	vmax.bf16 v10, v9  }
0x164: {  	v10 =	vmin.bf16 v12, v11;
	v11 =	vmax.bf16 v12, v11;
	v22 =	vmin.bf16 v19, v5  }
0x165: {  	v5 =	vmax.bf16 v19, v5;
	v12 =	vmin.bf16 v13, v18;
	v21 =	vmin.bf16 v14, v15  }
0x166: {  	v13 =	vmax.bf16 v13, v18;
	v14 =	vmax.bf16 v14, v15;
	v15 =	vmax.bf16 v4, v7  }
0x167: {  	v18 =	vmin.bf16 v8, v10;
	v23 =	vmax.bf16 v9, v11;
	v4 =	vmin.bf16 v4, v7  }
0x168: {  	v7 =	vmax.bf16 v8, v10;
	v9 =	vmin.bf16 v9, v11;
	v10 =	vmin.bf16 v17, v5  }
0x169: {  	v5 =	vmax.bf16 v17, v5;
	v8 =	vmin.bf16 v4, v16;
	v4 =	vmax.bf16 v4, v16  }
0x16a: {  	s1 =	sshll.u32 s23, $0x4;
	v11 =	vmin.bf16 v9, v20;
	v9 =	vmax.bf16 v9, v20;
	v17 =	vmin.bf16 v6, v7  }
0x16b: {  	s29 =	sor.u32 s1, s13;
	v6 =	vmax.bf16 v6, v7;
	v7 =	vmin.bf16 v22, v8;
	v8 =	vmax.bf16 v22, v8  }
0x16c: {  	s30 =	sor.u32 s1, s12;
	v29 =	vld [tilespmem:s29+$0x0];
	v20 =	vmin.bf16 v10, v4;
	v4 =	vmax.bf16 v10, v4;
	v10 =	vmin.bf16 v5, v15  }
0x16d: {  	s10 =	sor.u32 s1, s25;
	v33 =	vld [tilespmem:s30+$0x0];
	v24 =	vmin.bf16 v18, v11;
	v11 =	vmax.bf16 v18, v11;
	v18 =	vmin.bf16 v17, v9  }
0x16e: {  	s15 =	sor.u32 s1, s26;
	s26 =	sor.u32 s1, s18;
	v19 =	vld [tilespmem:s10+$0x0];
	v9 =	vmax.bf16 v17, v9;
	v17 =	vmin.bf16 v6, v23;
	v6 =	vmax.bf16 v6, v23  }
0x16f: {  	v25 =	vld [tilespmem:s26+$0x0];
	v5 =	vmax.bf16 v5, v15;
	v26 =	vmin.bf16 v7, v6;
	v27 =	vmin.bf16 v8, v17  }
0x170: {  	s24 =	sor.u32 s1, s24;
	v16 =	vld [tilespmem:s15+$0x0];
	v28 =	vmin.bf16 v20, v9;
	v30 =	vmin.bf16 v4, v18;
	v31 =	vmin.bf16 v10, v11  }
0x171: {  	s25 =	sor.u32 s1, s19;
	v22 =	vld [tilespmem:s24+$0x0];
	v32 =	vmin.bf16 v5, v24;
	v6 =	vmax.bf16 v7, v6;
	v7 =	vmax.bf16 v8, v17  }
0x172: {  	s28 =	sor.u32 s1, s14;
	v15 =	vld [tilespmem:s25+$0x0];
	v8 =	vmax.bf16 v20, v9;
	v4 =	vmax.bf16 v4, v18;
	v10 =	vmax.bf16 v10, v11  }
0x173: {  	s31 =	sor.u32 s1, s11;
	v23 =	vld [tilespmem:s28+$0x0];
	v5 =	vmax.bf16 v5, v24;
	v12 =	vmax.bf16 v12, v26;
	v17 =	vmax.bf16 v27, v28  }
0x174: {  	s9 =	sor.u32 s1, s9;
	v9 =	vld [tilespmem:s31+$0x0];
	v18 =	vmax.bf16 v30, v31;
	v21 =	vmax.bf16 v32, v21;
	v6 =	vmin.bf16 v13, v6  }
0x175: {  	s11 =	simm.s32 $0x0;
	s10 =	sor.u32 s1, s8;
	v11 =	vld [tilespmem:s9+$0x0];
	v7 =	vmin.bf16 v7, v8;
	v4 =	vmin.bf16 v4, v10;
	v5 =	vmin.bf16 v5, v14  }
0x176: {  	s6 =	sor.u32 s1, s6;
	s12 =	sshll.u32 s22, $0x5;
	s14 =	sand.u32 $0xFFFFFF00, s11;
	v20 =	vld [tilespmem:s10+$0x0];
	v10 =	vmax.bf16 v12, v17;
	v13 =	vmax.bf16 v18, v21;
	v6 =	vmin.bf16 v6, v7  }
0x177: {  	s4 =	sor.u32 s1, s4;
	s18 =	sor.u32 s14, s12;
	v8 =	vld [tilespmem:s6+$0x0];
	v4 =	vmin.bf16 v4, v5;
	v21 =	vmax.bf16 v29, v33;
	v7 =	vmax.bf16 v10, v13  }
0x178: {  	s3 =	sor.u32 s1, s3;
	v12 =	vld [tilespmem:s4+$0x0];
	v4 =	vmin.bf16 v6, v4;
	v10 =	vor.u32 s18, v0;
	v13 =	vmin.bf16 v16, v19  }
0x179: {  	v5 =	vld [tilespmem:s3+$0x0];
	v4 =	vadd.bf16 v4, v7;
	v7 =	vand.u32 v2, v10;
	v10 =	vmax.bf16 v16, v19  }
0x17a: {  	s0 =	sor.u32 s1, s0;
	v16 =	vmin.bf16 v22, v15;
	v15 =	vmax.bf16 v22, v15;
	v17 =	vmin.bf16 v25, v23  }
0x17b: {  	s2 =	sor.u32 s1, s2;
	v14 =	vld [tilespmem:s0+$0x0];
	v18 =	vmax.bf16 v25, v23;
	v19 =	vmin.bf16 v29, v33;
	v22 =	vmin.bf16 v9, v11  }
0x17c: {  	v6 =	vld [tilespmem:s2+$0x0];
	v9 =	vmax.bf16 v9, v11;
	v24 =	vmax.bf16 v17, v19;
	v25 =	vmin.bf16 v18, v21  }
0x17d: {  	v4 =	vmul.bf16 v1, v4;
	v11 =	vmin.bf16 v20, v8;
	v8 =	vmax.bf16 v20, v8  }
0x17e: {  	v30 =	vmin.bf16 v25, v24;
	v24 =	vmax.bf16 v25, v24;
	v20 =	vmin.bf16 v12, v5  }
0x17f: {  	v5 =	vmax.bf16 v12, v5;
	v12 =	vmax.bf16 v13, v16;
	v26 =	vmax.bf16 v22, v11  }
0x180: {  	v27 =	vmin.bf16 v9, v8;
	v13 =	vmin.bf16 v13, v16;
	v16 =	vmax.bf16 v18, v21  }
0x181: {  	v11 =	vmin.bf16 v22, v11;
	v8 =	vmax.bf16 v9, v8;
	v23 =	vmin.bf16 v6, v14  }
0x182: {  	v6 =	vmax.bf16 v6, v14;
	v14 =	vmin.bf16 v10, v15;
	v25 =	vmin.bf16 v27, v26  }
0x183: {  	v26 =	vmax.bf16 v27, v26;
	v10 =	vmax.bf16 v10, v15;
	v15 =	vmin.bf16 v17, v19  }
0x184: {  	v28 =	vmax.bf16 v20, v23;
	v29 =	vmin.bf16 v14, v12;
	v12 =	vmax.bf16 v14, v12  }
0x185: {  	v14 =	vmin.bf16 v5, v6;
	v17 =	vmin.bf16 v20, v23;
	v5 =	vmax.bf16 v5, v6  }
0x186: {  	v20 =	vmax.bf16 v13, v15;
	v21 =	vmin.bf16 v10, v16;
	v13 =	vmin.bf16 v13, v15  }
0x187: {  	v10 =	vmax.bf16 v10, v16;
	v27 =	vmin.bf16 v14, v28;
	v14 =	vmax.bf16 v14, v28  }
0x188: {  	v9 =	vmax.bf16 v29, v30;
	v6 =	vmin.bf16 v12, v24;
	v22 =	vmax.bf16 v11, v17  }
0x189: {  	v12 =	vmax.bf16 v12, v24;
	v11 =	vmin.bf16 v11, v17;
	v18 =	vmax.bf16 v25, v27  }
0x18a: {  	v19 =	vmin.bf16 v26, v14;
	v23 =	vmin.bf16 v6, v20;
	v6 =	vmax.bf16 v6, v20  }
0x18b: {  	v20 =	vmin.bf16 v8, v5;
	v28 =	vmin.bf16 v21, v9;
	v9 =	vmax.bf16 v21, v9  }
0x18c: {  	v24 =	vmin.bf16 v25, v27;
	v14 =	vmax.bf16 v26, v14;
	v5 =	vmax.bf16 v8, v5  }
0x18d: {  	s22 =	simm.s32 $0x2;
	v21 =	vmin.bf16 v19, v22;
	v19 =	vmax.bf16 v19, v22;
	v22 =	vmin.bf16 v20, v18  }
0x18e: {  	s13 =	simm.s32 $0x200;
	s24 =	sand.u32 $0x6, s22;
	v18 =	vmax.bf16 v20, v18;
	v20 =	vmin.bf16 v29, v30;
	v26 =	vmin.bf16 v9, v12  }
0x18f: {  	s31 =	sand.u32 $0x3FFFF800, s13;
	s25 =	sor.u32 $0x1, s24;
	v9 =	vmax.bf16 v9, v12;
	v25 =	vmin.bf16 v20, v23;
	v20 =	vmax.bf16 v20, v23  }
0x190: {  	s9 =	sshll.u32 s25, $0x4;
	s26 =	sadd.s32 $0x8300, s31;
	v23 =	vmin.bf16 v28, v6;
	v6 =	vmax.bf16 v28, v6;
	v27 =	vmin.bf16 v22, v19  }
0x191: {  	s28 =	sadd.s32 $0x8380, s31;
	s29 =	sor.u32 s9, s26;
	v19 =	vmax.bf16 v22, v19;
	v22 =	vmin.bf16 v18, v14;
	v14 =	vmax.bf16 v18, v14  }
0x192: {  	s12 =	sadd.s32 $0x8400, s31;
	s30 =	sor.u32 s9, s28;
	v15 =	vld [tilespmem:s29+$0x0];
	v12 =	vmin.bf16 v24, v21;
	v21 =	vmax.bf16 v24, v21;
	v8 =	vmin.bf16 v25, v14  }
0x193: {  	s0 =	sadd.s32 $0x8200, s31;
	s3 =	sor.u32 s9, s12;
	v16 =	vld [tilespmem:s30+$0x0];
	v17 =	vmin.bf16 v20, v22;
	v18 =	vmin.bf16 v23, v19;
	v29 =	vmin.bf16 v6, v27  }
0x194: {  	s15 =	sor.u32 s9, s0;
	s2 =	sadd.s32 $0x8280, s31;
	v30 =	vld [tilespmem:s3+$0x0];
	v31 =	vmin.bf16 v26, v21;
	v53 =	vmin.bf16 v9, v12;
	v14 =	vmax.bf16 v25, v14  }
0x195: {  	s8 =	sadd.s32 $0x8480, s31;
	s19 =	sor.u32 s9, s2;
	v24 =	vld [tilespmem:s15+$0x0];
	v20 =	vmax.bf16 v20, v22;
	v19 =	vmax.bf16 v23, v19;
	v6 =	vmax.bf16 v6, v27  }
0x196: {  	s11 =	sadd.s32 $0x8500, s31;
	s4 =	sor.u32 s9, s8;
	v28 =	vld [tilespmem:s19+$0x0];
	v23 =	vmin.bf16 v13, v5;
	v21 =	vmax.bf16 v26, v21;
	v9 =	vmax.bf16 v9, v12  }
0x197: {  	s6 =	sadd.s32 $0x8580, s31;
	s7 =	sor.u32 s9, s11;
	v25 =	vld [tilespmem:s4+$0x0];
	v26 =	vmin.bf16 v10, v11;
	v5 =	vmax.bf16 v13, v5;
	v10 =	vmax.bf16 v10, v11  }
0x198: {  	s13 =	sadd.s32 $0x8600, s31;
	s10 =	sor.u32 s9, s6;
	v22 =	vld [tilespmem:s7+$0x0];
	v8 =	vmax.bf16 v23, v8;
	v13 =	vmax.bf16 v17, v18;
	v17 =	vmax.bf16 v29, v31  }
0x199: {  	s19 =	sadd.s32 $0x8680, s31;
	s15 =	sor.u32 s9, s13;
	v12 =	vld [tilespmem:s10+$0x0];
	v23 =	vmax.bf16 v53, v26;
	v5 =	vmin.bf16 v5, v14;
	v14 =	vmin.bf16 v20, v19  }
0x19a: {  	s30 =	sadd.s32 $0x8780, s31;
	v11 =	vld [tilespmem:s15+$0x0];
	s29 =	sor.u32 s9, s19;
	v6 =	vmin.bf16 v6, v21;
	v9 =	vmin.bf16 v9, v10;
	v10 =	vmax.bf16 v8, v13  }
0x19b: {  	s3 =	sadd.s32 $0x8700, s31;
	s7 =	sor.u32 s9, s30;
	s10 =	sshll.u32 s23, $0x5;
	v18 =	vld [tilespmem:s29+$0x0];
	v17 =	vmax.bf16 v17, v23;
	v5 =	vmin.bf16 v5, v14;
	v6 =	vmin.bf16 v6, v9  }
0x19c: {  	s4 =	sor.u32 s9, s3;
	s29 =	sadd.s32 $0x8800, s31;
	v13 =	vld [tilespmem:s7+$0x0];
	s7 =	sor.u32 s10, s14;
	v8 =	vor.u32 s18, v3;
	v9 =	vmax.bf16 v10, v17;
	v5 =	vmin.bf16 v5, v6  }
0x19d: {  	s23 =	sadd.s32 $0x8880, s31;
	v19 =	vld [tilespmem:s4+$0x0];
	s15 =	sor.u32 s9, s29;
	v10 =	vunpack.i.l.bf16.f32 v4;
	v6 =	vor.u32 s7, v0;
	v20 =	vadd.bf16 v5, v9  }
0x19e: {  	s10 =	sor.u32 s9, s23;
	v14 =	vld [tilespmem:s15+$0x0];
	v9 =	vunpack.i.u.bf16.f32 v4;
	v4 =	vand.u32 v2, v6;
	v26 =	vmin.bf16 v24, v28  }
0x19f: {  	s4 =	sadd.s32 $0x8900, s31;
	v17 =	vld [tilespmem:s10+$0x0];
	v5 =	vor.u32 s7, v3;
	v24 =	vmax.bf16 v24, v28;
	[tilespmem:v7+s17+$0x0] =	vst.idx.msk $0xffff, v10;
	v27 =	vmin.bf16 v22, v12  }
0x1a0: {  	s14 =	sadd.s32 $0x8980, s31;
	s15 =	sor.u32 s9, s4;
	v12 =	vmax.bf16 v22, v12;
	v6 =	vmul.bf16 v1, v20;
	v20 =	vmin.bf16 v15, v16  }
0x1a1: {  	s18 =	sor.u32 s9, s14;
	v21 =	vld [tilespmem:s15+$0x0];
	v15 =	vmax.bf16 v15, v16;
	v16 =	vmin.bf16 v30, v25;
	v25 =	vmax.bf16 v30, v25  }
0x1a2: {  	v23 =	vld [tilespmem:s18+$0x0];
	v22 =	vmin.bf16 v11, v18;
	v11 =	vmax.bf16 v11, v18;
	v18 =	vmin.bf16 v19, v13  }
0x1a3: {  	v13 =	vmax.bf16 v19, v13;
	v29 =	vmin.bf16 v16, v27;
	v30 =	vmax.bf16 v25, v12  }
0x1a4: {  	v16 =	vmax.bf16 v16, v27;
	v12 =	vmin.bf16 v25, v12;
	v19 =	vmin.bf16 v14, v17  }
0x1a5: {  	v14 =	vmax.bf16 v14, v17;
	v17 =	vmin.bf16 v26, v20;
	v31 =	vmin.bf16 v22, v18  }
0x1a6: {  	v54 =	vmax.bf16 v11, v13;
	v20 =	vmax.bf16 v26, v20;
	v18 =	vmax.bf16 v22, v18  }
0x1a7: {  	v11 =	vmin.bf16 v11, v13;
	v28 =	vmin.bf16 v21, v23;
	v21 =	vmax.bf16 v21, v23  }
0x1a8: {  	v23 =	vmax.bf16 v24, v15;
	v15 =	vmin.bf16 v24, v15;
	v55 =	vmin.bf16 v19, v28  }
0x1a9: {  	v24 =	vmax.bf16 v14, v21;
	v13 =	vmax.bf16 v19, v28;
	v14 =	vmin.bf16 v14, v21  }
0x1aa: {  	v19 =	vmin.bf16 v17, v29;
	v21 =	vmax.bf16 v23, v30;
	v17 =	vmax.bf16 v17, v29  }
0x1ab: {  	v23 =	vmin.bf16 v23, v30;
	v26 =	vmin.bf16 v15, v20;
	v15 =	vmax.bf16 v15, v20  }
0x1ac: {  	v20 =	vmin.bf16 v12, v16;
	v12 =	vmax.bf16 v12, v16;
	v16 =	vmin.bf16 v11, v18  }
0x1ad: {  	v11 =	vmax.bf16 v11, v18;
	v22 =	vmin.bf16 v31, v55;
	v25 =	vmax.bf16 v54, v24  }
0x1ae: {  	v27 =	vmax.bf16 v31, v55;
	v24 =	vmin.bf16 v54, v24;
	v18 =	vmin.bf16 v14, v13  }
0x1af: {  	v13 =	vmax.bf16 v14, v13;
	v29 =	vmin.bf16 v26, v20;
	v20 =	vmax.bf16 v26, v20  }
0x1b0: {  	v14 =	vmin.bf16 v19, v25;
	v28 =	vmin.bf16 v21, v22;
	v19 =	vmax.bf16 v19, v25  }
0x1b1: {  	v21 =	vmax.bf16 v21, v22;
	v22 =	vmax.bf16 v15, v12;
	v25 =	vmin.bf16 v16, v18  }
0x1b2: {  	v30 =	vmax.bf16 v11, v13;
	v12 =	vmin.bf16 v15, v12;
	v15 =	vmax.bf16 v16, v18  }
0x1b3: {  	s1 =	sshll.u32 s24, $0x4;
	v11 =	vmin.bf16 v11, v13;
	v13 =	vmin.bf16 v23, v20;
	v16 =	vmin.bf16 v12, v17  }
0x1b4: {  	s9 =	sor.u32 s1, s8;
	v12 =	vmax.bf16 v12, v17;
	v17 =	vmax.bf16 v23, v20;
	v18 =	vmin.bf16 v11, v27  }
0x1b5: {  	s10 =	sor.u32 s1, s11;
	v35 =	vld [tilespmem:s9+$0x0];
	v11 =	vmax.bf16 v11, v27;
	v20 =	vmin.bf16 v24, v15;
	v15 =	vmax.bf16 v24, v15  }
0x1b6: {  	s4 =	sor.u32 s1, s4;
	v39 =	vld [tilespmem:s10+$0x0];
	v24 =	vmin.bf16 v29, v16;
	v16 =	vmax.bf16 v29, v16;
	v26 =	vmin.bf16 v13, v12  }
0x1b7: {  	s31 =	sor.u32 s1, s28;
	v10 =	vld [tilespmem:s4+$0x0];
	v12 =	vmax.bf16 v13, v12;
	v13 =	vmin.bf16 v17, v22;
	v17 =	vmax.bf16 v17, v22  }
0x1b8: {  	s0 =	sor.u32 s1, s0;
	v31 =	vld [tilespmem:s31+$0x0];
	v29 =	vmin.bf16 v25, v18;
	v18 =	vmax.bf16 v25, v18;
	v25 =	vmin.bf16 v20, v11  }
0x1b9: {  	s2 =	sor.u32 s1, s2;
	v23 =	vld [tilespmem:s0+$0x0];
	v11 =	vmax.bf16 v20, v11;
	v20 =	vmin.bf16 v15, v30;
	v15 =	vmax.bf16 v15, v30  }
0x1ba: {  	s26 =	sor.u32 s1, s26;
	v27 =	vld [tilespmem:s2+$0x0];
	v56 =	vmin.bf16 v24, v15;
	v57 =	vmin.bf16 v16, v20;
	v34 =	vmin.bf16 v26, v11  }
0x1bb: {  	s7 =	sor.u32 s1, s12;
	v22 =	vld [tilespmem:s26+$0x0];
	v36 =	vmin.bf16 v12, v25;
	v37 =	vmin.bf16 v13, v18;
	v38 =	vmin.bf16 v17, v29  }
0x1bc: {  	s11 =	sor.u32 s1, s6;
	v30 =	vld [tilespmem:s7+$0x0];
	v15 =	vmax.bf16 v24, v15;
	v16 =	vmax.bf16 v16, v20;
	v11 =	vmax.bf16 v26, v11  }
0x1bd: {  	s12 =	sor.u32 s1, s13;
	v20 =	vld [tilespmem:s11+$0x0];
	v12 =	vmax.bf16 v12, v25;
	v13 =	vmax.bf16 v13, v18;
	v17 =	vmax.bf16 v17, v29  }
0x1be: {  	s13 =	sor.u32 s1, s19;
	v18 =	vld [tilespmem:s12+$0x0];
	v14 =	vmax.bf16 v14, v56;
	v24 =	vmax.bf16 v57, v34;
	v25 =	vmax.bf16 v36, v37  }
0x1bf: {  	s28 =	sshll.u32 s25, $0x5;
	s15 =	sor.u32 s1, s3;
	s18 =	simm.s32 $0x40;
	v26 =	vld [tilespmem:s13+$0x0];
	v28 =	vmax.bf16 v38, v28;
	v15 =	vmin.bf16 v19, v15;
	v11 =	vmin.bf16 v16, v11  }
0x1c0: {  	s29 =	sor.u32 s1, s29;
	s19 =	sor.u32 s1, s30;
	s26 =	sand.u32 $0xFFFFFF00, s18;
	v16 =	vld [tilespmem:s15+$0x0];
	v12 =	vmin.bf16 v12, v13;
	v13 =	vmin.bf16 v17, v21;
	v14 =	vmax.bf16 v14, v24  }
0x1c1: {  	s30 =	sor.u32 s1, s23;
	s1 =	sor.u32 s1, s14;
	s2 =	sor.u32 s26, s28;
	v17 =	vld [tilespmem:s19+$0x0];
	v19 =	vmax.bf16 v25, v28;
	v11 =	vmin.bf16 v15, v11;
	v12 =	vmin.bf16 v12, v13  }
0x1c2: {  	v21 =	vld [tilespmem:s1+$0x0];
	v14 =	vmax.bf16 v14, v19;
	v11 =	vmin.bf16 v11, v12;
	v12 =	vor.u32 s2, v0  }
0x1c3: {  	[tilespmem:v8+s17+$0x0] =	vst.idx.msk $0xffff, v9;
	v13 =	vld [tilespmem:s29+$0x0];
	v24 =	vmin.bf16 v23, v27;
	v19 =	vor.u32 s2, v3;
	v11 =	vadd.bf16 v11, v14  }
0x1c4: {  	v15 =	vld [tilespmem:s30+$0x0];
	v12 =	vand.u32 v2, v12;
	v14 =	vmax.bf16 v23, v27;
	v25 =	vmin.bf16 v22, v31  }
0x1c5: {  	v27 =	vmax.bf16 v22, v31;
	v28 =	vmin.bf16 v30, v35;
	v29 =	vmax.bf16 v30, v35  }
0x1c6: {  	v30 =	vmin.bf16 v39, v20;
	v31 =	vmax.bf16 v39, v20;
	v8 =	vmin.bf16 v18, v26  }
0x1c7: {  	v9 =	vmax.bf16 v18, v26;
	v7 =	vmul.bf16 v1, v11;
	v26 =	vmin.bf16 v16, v17  }
0x1c8: {  	v58 =	vmax.bf16 v16, v17;
	v60 =	vmin.bf16 v10, v21;
	v61 =	vmax.bf16 v10, v21  }
0x1c9: {  	v10 =	vmin.bf16 v14, v27;
	v59 =	vmin.bf16 v13, v15;
	v15 =	vmax.bf16 v13, v15  }
0x1ca: {  	s31 =	sshll.u32 s24, $0x5;
	v13 =	vmin.bf16 v29, v31;
	v18 =	vmax.bf16 v8, v26;
	v11 =	vunpack.i.l.bf16.f32 v7  }
0x1cb: {  	s23 =	sor.u32 s31, s26;
	v8 =	vmin.bf16 v8, v26;
	v16 =	vunpack.i.u.bf16.f32 v7;
	v62 =	vmax.bf16 v59, v60;
	[tilespmem:v12+s17+$0x0] =	vst.idx.msk $0xffff, v11  }
0x1cc: {  	v7 =	vor.u32 s23, v0;
	v11 =	vmax.bf16 v24, v25;
	v12 =	vmax.bf16 v28, v30;
	[tilespmem:v19+s17+$0x0] =	vst.idx.msk $0xffff, v16  }
0x1cd: {  	v19 =	vmin.bf16 v9, v58;
	v16 =	vmin.bf16 v10, v11;
	v17 =	vmax.bf16 v10, v11  }
0x1ce: {  	v10 =	vmin.bf16 v15, v61;
	v20 =	vmin.bf16 v13, v12;
	v21 =	vmax.bf16 v13, v12  }
0x1cf: {  	v11 =	vmax.bf16 v14, v27;
	v12 =	vmin.bf16 v28, v30;
	v13 =	vmax.bf16 v29, v31  }
0x1d0: {  	v9 =	vmax.bf16 v9, v58;
	v14 =	vmin.bf16 v59, v60;
	v15 =	vmax.bf16 v15, v61  }
0x1d1: {  	v22 =	vmin.bf16 v19, v18;
	v18 =	vmax.bf16 v19, v18;
	v23 =	vmin.bf16 v10, v62  }
0x1d2: {  	v19 =	vmax.bf16 v10, v62;
	v10 =	vmin.bf16 v24, v25;
	v24 =	vmax.bf16 v16, v20  }
0x1d3: {  	v25 =	vmin.bf16 v17, v21;
	v63 =	vmin.bf16 v11, v13;
	v31 =	vmax.bf16 v8, v14  }
0x1d4: {  	v32 =	vmin.bf16 v9, v15;
	v29 =	vmax.bf16 v22, v23;
	v26 =	vmax.bf16 v10, v12  }
0x1d5: {  	v30 =	vmin.bf16 v18, v19;
	v27 =	vmin.bf16 v63, v24;
	v28 =	vmin.bf16 v25, v26  }
0x1d6: {  	v26 =	vmax.bf16 v25, v26;
	v25 =	vmax.bf16 v63, v24;
	v24 =	vmin.bf16 v30, v31  }
.LBB2_6:
0x1d7: {  	s22 =	sadd.s32 $0x2, s22;
	v30 =	vmax.bf16 v30, v31;
	v31 =	vmin.bf16 v32, v29;
	v29 =	vmax.bf16 v32, v29  }
0x1d8: {  	v16 =	vmin.bf16 v16, v20;
	v17 =	vmax.bf16 v17, v21;
	v20 =	vmin.bf16 v22, v23;
	s1 =	sand.u32 $0x6, s22;
	s2 =	sshll.u32 s22, $0x8;
	p1 =	slt.u32 s22, $0x7E  }
0x1d9: {  	v18 =	vmax.bf16 v18, v19;
	v21 =	vmin.bf16 v16, v28;
	v16 =	vmax.bf16 v16, v28;
	s0 =	sshll.u32 s1, $0x4;
	s8 =	sand.u32 $0x3FFFF800, s2;
	s24 =	sor.u32 $0x1, s1  }
0x1da: {  	v19 =	vmin.bf16 v27, v26;
	v22 =	vmax.bf16 v27, v26;
	v23 =	vmin.bf16 v25, v17;
	s25 =	sshll.u32 s1, $0x5;
	s3 =	sadd.s32 $0x8200, s8;
	s6 =	sshll.u32 s24, $0x4  }
0x1db: {  	v17 =	vmax.bf16 v25, v17;
	v25 =	vmin.bf16 v20, v24;
	v20 =	vmax.bf16 v20, v24;
	s1 =	sadd.s32 $0x8280, s8;
	s2 =	sor.u32 s0, s3;
	s4 =	sor.u32 s6, s3  }
0x1dc: {  	v26 =	vmin.bf16 v31, v30;
	v27 =	vmax.bf16 v31, v30;
	v28 =	vmin.bf16 v29, v18;
	s7 =	sadd.s32 $0x8300, s8;
	s3 =	sor.u32 s0, s1;
	s1 =	sor.u32 s6, s1;
	v24 =	vld [tilespmem:s4+$0x0]  }
0x1dd: {  	v10 =	vmin.bf16 v10, v12;
	v11 =	vmax.bf16 v11, v13;
	v12 =	vmax.bf16 v29, v18;
	s10 =	sadd.s32 $0x8380, s8;
	s4 =	sor.u32 s0, s7;
	v30 =	vld [tilespmem:s1+$0x0];
	s1 =	sor.u32 s6, s7  }
0x1de: {  	v8 =	vmin.bf16 v8, v14;
	v9 =	vmax.bf16 v9, v15;
	v14 =	vmin.bf16 v21, v12;
	s9 =	sor.u32 s0, s10;
	s7 =	sadd.s32 $0x8400, s8;
	v13 =	vld [tilespmem:s1+$0x0];
	s1 =	sor.u32 s6, s10  }
0x1df: {  	v18 =	vmin.bf16 v16, v28;
	v29 =	vmin.bf16 v19, v27;
	v31 =	vmin.bf16 v22, v26;
	s11 =	sor.u32 s0, s7;
	s10 =	sadd.s32 $0x8480, s8;
	v15 =	vld [tilespmem:s1+$0x0];
	s1 =	sor.u32 s6, s7  }
0x1e0: {  	v33 =	vmin.bf16 v23, v20;
	v34 =	vmin.bf16 v17, v25;
	v12 =	vmax.bf16 v21, v12;
	s12 =	sor.u32 s0, s10;
	s7 =	sadd.s32 $0x8500, s8;
	v32 =	vld [tilespmem:s1+$0x0];
	s1 =	sor.u32 s6, s10  }
0x1e1: {  	v16 =	vmax.bf16 v16, v28;
	v19 =	vmax.bf16 v19, v27;
	v22 =	vmax.bf16 v22, v26;
	s13 =	sor.u32 s0, s7;
	s10 =	sadd.s32 $0x8580, s8;
	v21 =	vld [tilespmem:s1+$0x0];
	s1 =	sor.u32 s6, s7  }
0x1e2: {  	v27 =	vmin.bf16 v10, v9;
	v20 =	vmax.bf16 v23, v20;
	v17 =	vmax.bf16 v17, v25;
	s14 =	sor.u32 s0, s10;
	s7 =	sadd.s32 $0x8600, s8;
	v26 =	vld [tilespmem:s1+$0x0];
	s1 =	sor.u32 s6, s10  }
0x1e3: {  	v25 =	vmin.bf16 v11, v8;
	v9 =	vmax.bf16 v10, v9;
	v8 =	vmax.bf16 v11, v8;
	s18 =	sor.u32 s0, s7;
	s10 =	sadd.s32 $0x8680, s8;
	v23 =	vld [tilespmem:s1+$0x0];
	s1 =	sor.u32 s6, s7  }
0x1e4: {  	v10 =	vmax.bf16 v27, v14;
	v11 =	vmax.bf16 v18, v29;
	v14 =	vmax.bf16 v31, v33;
	s19 =	sor.u32 s0, s10;
	s7 =	sadd.s32 $0x8700, s8;
	v28 =	vld [tilespmem:s1+$0x0];
	s1 =	sor.u32 s6, s10  }
0x1e5: {  	v25 =	vmax.bf16 v34, v25;
	v9 =	vmin.bf16 v9, v12;
	v12 =	vmin.bf16 v16, v19;
	s26 =	sor.u32 s0, s7;
	s10 =	sadd.s32 $0x8780, s8;
	v18 =	vld [tilespmem:s1+$0x0];
	s1 =	sor.u32 s6, s7  }
0x1e6: {  	v19 =	vmin.bf16 v22, v20;
	v8 =	vmin.bf16 v17, v8;
	v10 =	vmax.bf16 v10, v11;
	s28 =	sor.u32 s0, s10;
	s7 =	sadd.s32 $0x8800, s8;
	v16 =	vld [tilespmem:s1+$0x0];
	s1 =	sor.u32 s6, s10  }
0x1e7: {  	s15 =	sadd.s32 $0x8880, s8;
	v11 =	vmax.bf16 v14, v25;
	v9 =	vmin.bf16 v9, v12;
	v8 =	vmin.bf16 v19, v8;
	s29 =	sor.u32 s0, s7;
	v17 =	vld [tilespmem:s1+$0x0];
	s1 =	sor.u32 s6, s7  }
0x1e8: {  	v10 =	vmax.bf16 v10, v11;
	v9 =	vmin.bf16 v9, v8;
	v8 =	vunpack.i.u.bf16.f32 v6;
	s10 =	sor.u32 s0, s15;
	s15 =	sor.u32 s6, s15;
	s7 =	sadd.s32 $0x8900, s8;
	v14 =	vld [tilespmem:s1+$0x0]  }
0x1e9: {  	v6 =	vunpack.i.l.bf16.f32 v6;
	v9 =	vadd.bf16 v9, v10;
	v10 =	vand.u32 v2, v7;
	s8 =	sadd.s32 $0x8980, s8;
	s1 =	sor.u32 s0, s7;
	s7 =	sor.u32 s6, s7;
	v19 =	vld [tilespmem:s15+$0x0]  }
0x1ea: {  	v7 =	vor.u32 s23, v3;
	s0 =	sor.u32 s0, s8;
	s6 =	sor.u32 s6, s8;
	v20 =	vld [tilespmem:s7+$0x0];
	[tilespmem:v4+s17+$0x0] =	vst.idx.msk $0xffff, v6;
	v4 =	vmov v10  }
0x1eb: {  	v25 =	vmin.bf16 v24, v30;
	v24 =	vmax.bf16 v24, v30;
	v6 =	vmul.bf16 v1, v9;
	v22 =	vld [tilespmem:s6+$0x0]  }
0x1ec: {  	v27 =	vmin.bf16 v13, v15;
	v29 =	vmax.bf16 v13, v15;
	v30 =	vmin.bf16 v32, v21;
	v9 =	vld [tilespmem:s2+$0x0]  }
0x1ed: {  	v21 =	vmax.bf16 v32, v21;
	v31 =	vmin.bf16 v26, v23;
	v23 =	vmax.bf16 v26, v23;
	v10 =	vld [tilespmem:s3+$0x0]  }
0x1ee: {  	v26 =	vmin.bf16 v28, v18;
	v28 =	vmax.bf16 v28, v18;
	v18 =	vmin.bf16 v16, v17;
	v11 =	vld [tilespmem:s4+$0x0]  }
0x1ef: {  	v32 =	vmax.bf16 v16, v17;
	v33 =	vmin.bf16 v14, v19;
	v19 =	vmax.bf16 v14, v19;
	v12 =	vld [tilespmem:s9+$0x0]  }
0x1f0: {  	v34 =	vmin.bf16 v25, v27;
	v13 =	vld [tilespmem:s11+$0x0];
	v35 =	vmin.bf16 v20, v22;
	v20 =	vmax.bf16 v20, v22  }
0x1f1: {  	v36 =	vmin.bf16 v30, v31;
	v37 =	vmax.bf16 v21, v23;
	v22 =	vmax.bf16 v24, v29;
	v14 =	vld [tilespmem:s12+$0x0]  }
0x1f2: {  	v38 =	vmin.bf16 v26, v18;
	v39 =	vmax.bf16 v28, v32;
	v40 =	vmin.bf16 v33, v35;
	v15 =	vld [tilespmem:s13+$0x0]  }
0x1f3: {  	v25 =	vmax.bf16 v25, v27;
	v24 =	vmin.bf16 v24, v29;
	v27 =	vmax.bf16 v19, v20;
	v16 =	vld [tilespmem:s14+$0x0]  }
0x1f4: {  	v23 =	vmin.bf16 v21, v23;
	v26 =	vmax.bf16 v26, v18;
	v29 =	vmax.bf16 v30, v31;
	v17 =	vld [tilespmem:s18+$0x0]  }
0x1f5: {  	v28 =	vmin.bf16 v28, v32;
	v30 =	vmax.bf16 v33, v35;
	v31 =	vmin.bf16 v19, v20;
	v18 =	vld [tilespmem:s19+$0x0]  }
0x1f6: {  	v32 =	vmin.bf16 v34, v36;
	v33 =	vmax.bf16 v22, v37;
	v35 =	vmin.bf16 v38, v40;
	v19 =	vld [tilespmem:s26+$0x0]  }
0x1f7: {  	v34 =	vmax.bf16 v34, v36;
	v22 =	vmin.bf16 v22, v37;
	v36 =	vmax.bf16 v39, v27;
	v20 =	vld [tilespmem:s28+$0x0]  }
0x1f8: {  	v37 =	vmin.bf16 v24, v25;
	v38 =	vmax.bf16 v38, v40;
	v27 =	vmin.bf16 v39, v27;
	v21 =	vld [tilespmem:s29+$0x0]  }
0x1f9: {  	v24 =	vmax.bf16 v24, v25;
	v25 =	vmin.bf16 v23, v29;
	v23 =	vmax.bf16 v23, v29;
	v39 =	vld [tilespmem:s10+$0x0]  }
0x1fa: {  	v40 =	vmin.bf16 v28, v26;
	v26 =	vmax.bf16 v28, v26;
	v28 =	vmin.bf16 v31, v30;
	v29 =	vld [tilespmem:s1+$0x0]  }
0x1fb: {  	v30 =	vmax.bf16 v31, v30;
	v31 =	vmin.bf16 v32, v36;
	v42 =	vmin.bf16 v33, v35;
	v41 =	vld [tilespmem:s0+$0x0]  }
0x1fc: {  	v43 =	vmin.bf16 v37, v25;
	v32 =	vmax.bf16 v32, v36;
	v33 =	vmax.bf16 v33, v35  }
0x1fd: {  	v35 =	vmax.bf16 v24, v23;
	v36 =	vmin.bf16 v40, v28;
	v44 =	vmax.bf16 v26, v30  }
0x1fe: {  	v25 =	vmax.bf16 v37, v25;
	v23 =	vmin.bf16 v24, v23;
	v24 =	vmax.bf16 v40, v28  }
0x1ff: {  	v26 =	vmin.bf16 v26, v30;
	v28 =	vmin.bf16 v23, v34;
	v23 =	vmax.bf16 v23, v34  }
0x200: {  	v30 =	vmin.bf16 v22, v25;
	v22 =	vmax.bf16 v22, v25;
	v25 =	vmin.bf16 v26, v38  }
0x201: {  	v26 =	vmax.bf16 v26, v38;
	v34 =	vmin.bf16 v27, v24;
	v24 =	vmax.bf16 v27, v24  }
0x202: {  	v27 =	vmin.bf16 v43, v28;
	v28 =	vmax.bf16 v43, v28;
	v37 =	vmin.bf16 v30, v23  }
0x203: {  	v23 =	vmax.bf16 v30, v23;
	v30 =	vmin.bf16 v22, v35;
	v22 =	vmax.bf16 v22, v35  }
0x204: {  	v35 =	vmin.bf16 v36, v25;
	v25 =	vmax.bf16 v36, v25;
	v36 =	vmin.bf16 v34, v26  }
0x205: {  	v26 =	vmax.bf16 v34, v26;
	v34 =	vmin.bf16 v24, v44;
	v24 =	vmax.bf16 v24, v44  }
0x206: {  	v38 =	vmin.bf16 v27, v24;
	v40 =	vmin.bf16 v28, v34;
	v43 =	vmin.bf16 v37, v26  }
0x207: {  	v44 =	vmin.bf16 v23, v36;
	v45 =	vmin.bf16 v30, v25;
	v46 =	vmin.bf16 v22, v35  }
0x208: {  	v24 =	vmax.bf16 v27, v24;
	v27 =	vmax.bf16 v28, v34;
	v26 =	vmax.bf16 v37, v26  }
0x209: {  	v23 =	vmax.bf16 v23, v36;
	v25 =	vmax.bf16 v30, v25;
	v22 =	vmax.bf16 v22, v35  }
0x20a: {  	v28 =	vmax.bf16 v31, v38;
	v30 =	vmax.bf16 v40, v43;
	v31 =	vmax.bf16 v44, v45  }
0x20b: {  	v34 =	vmax.bf16 v46, v42;
	v24 =	vmin.bf16 v32, v24;
	v26 =	vmin.bf16 v27, v26;
	s0 =	sshll.u32 s22, $0x5  }
0x20c: {  	v23 =	vmin.bf16 v23, v25;
	v22 =	vmin.bf16 v22, v33;
	v25 =	vmax.bf16 v28, v30;
	s1 =	sshll.u32 s24, $0x5;
	s0 =	sand.u32 $0xFFFFFF00, s0  }
0x20d: {  	v27 =	vmax.bf16 v31, v34;
	v24 =	vmin.bf16 v24, v26;
	v22 =	vmin.bf16 v23, v22;
	s23 =	sor.u32 s25, s0;
	s0 =	sor.u32 s0, s1  }
0x20e: {  	v23 =	vmax.bf16 v25, v27;
	v22 =	vmin.bf16 v24, v22;
	v24 =	vor.u32 s0, v0;
	[tilespmem:v5+s17+$0x0] =	vst.idx.msk $0xffff, v8  }
0x20f: {  	v22 =	vadd.bf16 v22, v23;
	v23 =	vand.u32 v2, v24;
	v8 =	vmin.bf16 v9, v10;
	v5 =	vmovc v7  }
0x210: {  	v24 =	vor.u32 s0, v3;
	v9 =	vmax.bf16 v9, v10;
	v10 =	vmin.bf16 v11, v12  }
0x211: {  	v11 =	vmax.bf16 v11, v12;
	v12 =	vmin.bf16 v13, v14;
	v7 =	vmul.bf16 v1, v22  }
0x212: {  	v13 =	vmax.bf16 v13, v14;
	v14 =	vmin.bf16 v15, v16;
	v15 =	vmax.bf16 v15, v16  }
0x213: {  	v25 =	vmin.bf16 v17, v18;
	v26 =	vmax.bf16 v17, v18;
	v16 =	vunpack.i.l.bf16.f32 v7  }
0x214: {  	v27 =	vmin.bf16 v19, v20;
	v28 =	vmax.bf16 v19, v20;
	v17 =	vunpack.i.u.bf16.f32 v7;
	[tilespmem:v23+s17+$0x0] =	vst.idx.msk $0xffff, v16  }
0x215: {  	v30 =	vmin.bf16 v21, v39;
	v31 =	vmax.bf16 v21, v39;
	v7 =	vor.u32 s23, v0;
	[tilespmem:v24+s17+$0x0] =	vst.idx.msk $0xffff, v17  }
0x216: {  	v17 =	vmax.bf16 v8, v10;
	v24 =	vmin.bf16 v29, v41;
	v29 =	vmax.bf16 v29, v41  }
0x217: {  	v18 =	vmin.bf16 v9, v11;
	v19 =	vmax.bf16 v12, v14;
	v21 =	vmin.bf16 v13, v15  }
0x218: {  	v32 =	vmin.bf16 v26, v28;
	v23 =	vmax.bf16 v25, v27;
	v33 =	vmax.bf16 v30, v24  }
0x219: {  	v16 =	vmin.bf16 v18, v17;
	v17 =	vmax.bf16 v18, v17;
	v34 =	vmin.bf16 v31, v29  }
0x21a: {  	v20 =	vmin.bf16 v21, v19;
	v21 =	vmax.bf16 v21, v19;
	v22 =	vmin.bf16 v32, v23  }
0x21b: {  	v18 =	vmax.bf16 v32, v23;
	v23 =	vmin.bf16 v34, v33;
	v19 =	vmax.bf16 v34, v33  }
0x21c: {  	v11 =	vmax.bf16 v9, v11;
	v12 =	vmin.bf16 v12, v14;
	v10 =	vmin.bf16 v8, v10  }
0x21d: {  	v13 =	vmax.bf16 v13, v15;
	v9 =	vmax.bf16 v26, v28;
	v8 =	vmin.bf16 v25, v27  }
.Ltmp6:
0x21e: {  	v14 =	vmin.bf16 v30, v24;
	v15 =	vmax.bf16 v31, v29;
	v25 =	vmax.bf16 v16, v20;
	(pc) =	sbr.rel @p1 .LBB2_6-.Ltmp6, $4  }
0x21f: {  	v24 =	vmin.bf16 v17, v21;
	v29 =	vmax.bf16 v22, v23;
	v30 =	vmin.bf16 v18, v19  }
0x220: {  	v26 =	vmax.bf16 v10, v12;
	v33 =	vmin.bf16 v11, v13;
	v31 =	vmax.bf16 v8, v14  }
0x221: {  	v32 =	vmin.bf16 v9, v15;
	v28 =	vmin.bf16 v24, v26;
	v26 =	vmax.bf16 v24, v26  }
0x222: {  	v27 =	vmin.bf16 v33, v25;
	v25 =	vmax.bf16 v33, v25;
	v24 =	vmin.bf16 v30, v31  }
0x223: {  	v30 =	vmax.bf16 v30, v31;
	v33 =	vmin.bf16 v32, v29;
	v34 =	vmax.bf16 v32, v29  }
0x224: {  	v16 =	vmin.bf16 v16, v20;
	v17 =	vmax.bf16 v17, v21;
	v35 =	vmin.bf16 v22, v23  }
0x225: {  	v18 =	vmax.bf16 v18, v19;
	v37 =	vmin.bf16 v27, v26;
	v38 =	vmax.bf16 v27, v26  }
0x226: {  	v10 =	vmin.bf16 v10, v12;
	v11 =	vmax.bf16 v11, v13;
	v8 =	vmin.bf16 v8, v14  }
0x227: {  	v9 =	vmax.bf16 v9, v15;
	v36 =	vmin.bf16 v16, v28;
	v16 =	vmax.bf16 v16, v28  }
0x228: {  	v39 =	vmin.bf16 v25, v17;
	v17 =	vmax.bf16 v25, v17;
	v40 =	vmin.bf16 v35, v24  }
0x229: {  	v20 =	vmax.bf16 v35, v24;
	v41 =	vmin.bf16 v33, v30;
	v42 =	vmax.bf16 v33, v30  }
0x22a: {  	v43 =	vmin.bf16 v34, v18;
	v44 =	vmax.bf16 v34, v18;
	v52 =	vmin.bf16 v10, v9  }
0x22b: {  	v53 =	vmin.bf16 v11, v8;
	v9 =	vmax.bf16 v10, v9;
	v8 =	vmax.bf16 v11, v8  }
0x22c: {  	v45 =	vmin.bf16 v36, v44;
	v46 =	vmin.bf16 v16, v43;
	v47 =	vmin.bf16 v37, v42  }
0x22d: {  	v48 =	vmin.bf16 v38, v41;
	v49 =	vmin.bf16 v39, v20;
	v50 =	vmin.bf16 v17, v40  }
0x22e: {  	v12 =	vmax.bf16 v36, v44;
	v16 =	vmax.bf16 v16, v43;
	v19 =	vmax.bf16 v37, v42  }
0x22f: {  	v51 =	vmax.bf16 v38, v41;
	v20 =	vmax.bf16 v39, v20;
	v17 =	vmax.bf16 v17, v40  }
0x230: {  	v54 =	vmax.bf16 v52, v45;
	v55 =	vmax.bf16 v46, v47;
	v56 =	vmax.bf16 v48, v49  }
0x231: {  	v57 =	vmax.bf16 v50, v53;
	v9 =	vmin.bf16 v9, v12;
	v58 =	vmin.bf16 v16, v19  }
0x232: {  	v59 =	vmin.bf16 v51, v20;
	v8 =	vmin.bf16 v17, v8;
	v10 =	vmax.bf16 v54, v55  }
0x233: {  	v60 =	vmax.bf16 v56, v57;
	v9 =	vmin.bf16 v9, v58;
	v8 =	vmin.bf16 v59, v8  }
0x234: {  	v10 =	vmax.bf16 v10, v60;
	v8 =	vmin.bf16 v9, v8  }
0x235: {  	v7 =	vand.u32 v2, v7;
	v8 =	vadd.bf16 v8, v10  }
0x236: {  	v61 =	vor.u32 s23, v3  }
0x237: {  	v62 =	vunpack.i.l.bf16.f32 v6;
	v8 =	vmul.bf16 v1, v8  }
0x238: {  	v63 =	vunpack.i.u.bf16.f32 v6;
	[tilespmem:v4+s17+$0x0] =	vst.idx.msk $0xffff, v62  }
0x239: {  	[tilespmem:v5+s17+$0x0] =	vst.idx.msk $0xffff, v63;
	v4 =	vunpack.i.l.bf16.f32 v8  }
.Ltmp7:
0x23a: {  	v5 =	vunpack.i.u.bf16.f32 v8;
	[tilespmem:v7+s17+$0x0] =	vst.idx.msk $0xffff, v4;
	(pc) =	sbr.rel .LBB2_8-.Ltmp7, $4  }
0x23b: {  	[tilespmem:v61+s17+$0x0] =	vst.idx.msk $0xffff, v5  }
0x23c: {  	s0 =	sshll.u32 s21, $0x9;
	s1 =	rddreg [dreg:$0x5]  }
0x23d: {  	s31 =	simm.s32 $0x0;
	s0 =	sadd.s32 s1, s0  }
0x23e: {  	[hbm4b:s0+s31] =	stream.linear.scatter [tilespmem:s17], [sflag:$0x6], $0x1000, $0x38;
	[tilespmem:$0x12200] =	vst v63  }
.LBB2_10:
0x23f: {  	_ =	sfence.sel $0x180000  }
0x240: {  	[bflag:$0x0] =	sbarrier.arrive $0xFFFF  }
0x241: {  	_ =	strace $0x90000047  }
0x242: {  	s0 =	stileid.u32;
	[bflag:$0x2] =	sbarrier.arrive $0xFFFF  }
0x243: {  	p0 =	sne.s32 s0, $0x0;
	s0 =	rddreg [dreg:$0x2]  }
0x244: {  	s0 =	sadd.s32 @!p0 $0x100000, s0  }
0x245: {  	[sflag:s0] =	ssyncadd.tile.s32 @!p0 $0x1;
	_ =	shalt  }
.Lfunc_end2:
_tile_overlayer_lowered:
.L_overlay_start_2:
0x246: {  	(tag) =	ssettag $0x2  }
0x247: {  	s0 =	rddreg [dreg:$0x0];
	s2 =	stileid.u32  }
0x248: {  	s1 =	rddreg [dreg:$0x1];
	p0 =	sne.s32 s2, $0x0  }
0x249: {  	s3 =	rddreg [dreg:$0x2];
	[bflag:$0x3] =	sbarrier.arrive $0xFFFF;
	s2 =	simm.s32 @!p0 $0x1C07  }
0x24a: {  	[timem:s3], [sflag:s2] =	dma.local @!p0 [hbm:s0], s1  }
0x24b: {  	s0 =	simm.s32 @!p0 $0x7  }
0x24c: {  	_ =	swait.ge @!p0 [sflag:s0], s1  }
0x24d: {  	s1 =	ssub.s32 @!p0 $0x0, s1;
	[sflag:s0] =	ssyncset.done @!p0 $0x0  }
0x24e: {  	[sflag:s0] =	ssyncadd.s32 @!p0 s1  }
0x24f: {  	[bflag:$0x3] =	sbarrier.arrive $0xFFFF  }
0x250: {  	_ =	shalt  }

</sc_bundles>
